<compile_context>
chip_gen: v7x
topology: tpu7x:2x2x1
jax: 0.10.2.dev20260603
libtpu: 0.0.44.dev20260713+nightly
codegen_flags: <defaults>
</compile_context>

<pallas_src>
import functools
import math

import jax
import jax.numpy as jnp
from jax import lax
from jax.experimental import pallas as pl
from jax.experimental.pallas import tpu as pltpu
from jax.experimental.pallas import tpu_sc as plsc

B, C, H, W = 2, 4, 512, 512
N = H * W
NC, NS, L = 2, 16, 16
NW = NC * NS
NBIN = 5
ACC = (1 + C) * NBIN * L
LOG10 = math.log(10.0)

H_SC = 128
GB = 128

_mesh = plsc.VectorSubcoreMesh(
    core_axis_name="c", subcore_axis_name="s", num_cores=NC, num_subcores=NS
)


@functools.partial(
    pl.kernel,
    out_type=jax.ShapeDtypeStruct((NW, ACC), jnp.float32),
    mesh=_mesh,
    scratch_types=[
        pltpu.VMEM((2, H_SC // NS, W), jnp.int32),
        pltpu.VMEM((2, C, H_SC // NS, W), jnp.float32),
        pltpu.VMEM((NBIN * L,), jnp.float32),
        pltpu.VMEM((NBIN * L,), jnp.float32),
        pltpu.VMEM((NBIN * L,), jnp.float32),
        pltpu.VMEM((NBIN * L,), jnp.float32),
        pltpu.VMEM((NBIN * L,), jnp.float32),
        pltpu.VMEM((ACC,), jnp.float32),
        pltpu.SemaphoreType.DMA,
        pltpu.SemaphoreType.DMA,
    ],
    compiler_params=pltpu.CompilerParams(needs_layout_passes=False),
)
def _binned_sums(pred_hbm, lab_hbm, out_hbm, labv, chv, cnt, a0, a1, a2, a3,
                 stage, sem0, sem1):
    cid = lax.axis_index("c")
    sid = lax.axis_index("s")
    batch = cid
    rows = H_SC // NS
    NCHK = 1
    CR = rows // NCHK
    r0 = sid * rows
    accs = [cnt, a0, a1, a2, a3]
    sems = [sem0, sem1]

    zeros = jnp.zeros((L,), jnp.float32)
    for a in accs:
        for j in range(NBIN):
            a[pl.ds(j * L, L)] = zeros

    iota = lax.iota(jnp.int32, L)
    ones = jnp.ones((L,), jnp.float32)
    vecs_per_row = W // L

    def issue(g):
        buf = g & 1
        rb = r0 + g * CR
        hl = pltpu.async_copy(lab_hbm.at[batch, 0, pl.ds(rb, CR), :],
                              labv.at[buf], sems[buf])
        hp = pltpu.async_copy(pred_hbm.at[batch, :, pl.ds(rb, CR), :],
                              chv.at[buf], sems[buf])
        return (hl, hp)

    handles = issue(0)
    for g in range(NCHK):
        nxt = issue(g + 1) if g + 1 < NCHK else None
        for h in handles:
            h.wait()
        handles = nxt
        buf = g & 1

        @plsc.parallel_loop(0, CR * W // L, unroll=8)
        def _(i):
            r = i // vecs_per_row
            col = (i % vecs_per_row) * L
            lab = labv[buf, r, pl.ds(col, L)]
            idx = lab * L + iota
            plsc.addupdate_scatter(cnt, [idx], ones)
            for ch in range(C):
                x = chv[buf, ch, r, pl.ds(col, L)]
                plsc.addupdate_scatter(accs[1 + ch], [idx], x)

    wid = cid * NS + sid
    for j, a in enumerate(accs):
        for k in range(NBIN):
            stage[pl.ds((j * NBIN + k) * L, L)] = a[pl.ds(k * L, L)]
    pltpu.sync_copy(stage, out_hbm.at[wid])


def _tc_partial(pred_ref, lab_ref, out_ref):
    b = pl.program_id(0)
    k = pl.program_id(1)

    @pl.when((b == 0) & (k == 0))
    def _():
        for bb in range(B):
            for j in range(1 + C):
                for r in range(NBIN):
                    out_ref[bb, j, r] = jnp.float32(0.0)

    lab = lab_ref[0, 0]
    masks = [lab == r for r in range(1, NBIN)]
    for r in range(1, NBIN):
        out_ref[b, 0, r] += jnp.sum(masks[r - 1].astype(jnp.float32))
    for ch in range(C):
        x = pred_ref[0, ch]
        for r in range(1, NBIN):
            out_ref[b, 1 + ch, r] += jnp.sum(jnp.where(masks[r - 1], x, 0.0))


def _epilogue(part_ref, tc_ref, out_ref):
    x = part_ref[...]
    total = jnp.float32(0.0)
    for b in range(B):
        col = jnp.sum(x[b * NS:(b + 1) * NS, :], axis=0)
        cnt = [jnp.sum(col[r * L:(r + 1) * L]) + tc_ref[b, 0, r]
               for r in range(NBIN)]
        kmax = jnp.float32(0.0)
        for r in range(1, NBIN):
            kmax = jnp.where(cnt[r] > 0.0, jnp.float32(r), kmax)
        accum = jnp.float32(0.0)
        for r in range(1, NBIN):
            s2 = jnp.float32(0.0)
            for ch in range(C):
                c0 = (1 + ch) * NBIN * L + r * L
                s = jnp.sum(col[c0:c0 + L]) + tc_ref[b, 1 + ch, r]
                s2 = s2 + s * s
            nrm = jnp.sqrt(s2)
            fr = jnp.log(jnp.maximum(3.0 - nrm, 0.0) ** 2 + 1.0)
            valid = (jnp.float32(r) <= kmax).astype(jnp.float32)
            accum = accum + valid * cnt[r] * (fr - LOG10)
        pairs = kmax * (kmax - 1.0) * 0.5
        total = total + pairs * jnp.float32(B * N * LOG10) + (kmax - 1.0) * accum
    out_ref[0, 0] = total


def kernel(pred_similarities, kernel_mask_ndi_labels):
    parts = _binned_sums(pred_similarities, kernel_mask_ndi_labels)
    tc_parts = pl.pallas_call(
        _tc_partial,
        grid=(B, (H - H_SC) // GB),
        in_specs=[
            pl.BlockSpec((1, C, GB, W), lambda b, k: (b, 0, H_SC // GB + k, 0)),
            pl.BlockSpec((1, 1, GB, W), lambda b, k: (b, 0, H_SC // GB + k, 0)),
        ],
        out_shape=jax.ShapeDtypeStruct((B, 1 + C, NBIN), jnp.float32),
        out_specs=pl.BlockSpec(memory_space=pltpu.SMEM),
    )(pred_similarities, kernel_mask_ndi_labels)
    res = pl.pallas_call(
        _epilogue,
        in_specs=[
            pl.BlockSpec(memory_space=pltpu.VMEM),
            pl.BlockSpec(memory_space=pltpu.SMEM),
        ],
        out_shape=jax.ShapeDtypeStruct((1, 1), jnp.float32),
        out_specs=pl.BlockSpec(memory_space=pltpu.SMEM),
    )(parts, tc_parts)
    return res[0, 0]

# --- scband reference (transcript-rebuilt; emitter-appended) ---
"""Pipeline reference for scband-discrimination-loss-32908039422364 (READ-ONLY COPY).

The authoritative reference and input builder live on the scoring server;
editing this copy changes nothing except your own understanding.
"""

import jax, jax.numpy as jnp
import numpy as np
import itertools


def setup_inputs(seed: int = 0) -> dict:
    key = jax.random.key(seed)
    k1, k2 = jax.random.split(key)
    pred_similarities = jax.random.normal(k1, (2, 4, 512, 512), dtype=jnp.float32)
    kernel_mask_ndi_labels = jax.random.randint(k2, (2, 1, 512, 512), 0, 5)
    return {"pred_similarities": pred_similarities, "kernel_mask_ndi_labels": kernel_mask_ndi_labels}


def reference(pred_similarities, kernel_mask_ndi_labels):
    sigma_dis = 3.0
    kernel_labels = kernel_mask_ndi_labels
    batch_size = pred_similarities.shape[0]
    C = pred_similarities.shape[1]
    MAXK = 4
    L_dis = jnp.zeros(
        (batch_size,) + pred_similarities.shape[2:], dtype=pred_similarities.dtype
    )
    for batch in range(batch_size):
        num_kernel = kernel_labels[batch].max()
        cur_batch_list = []
        for i in range(1, MAXK + 1):
            where_ones = (kernel_labels[batch] == i)[0]  # squeeze axis 0 -> [H, W] bool
            Gk = jnp.zeros_like(pred_similarities)
            for j in range(C):
                s = jnp.sum(jnp.where(where_ones, pred_similarities[batch][j], 0.0))
                # masked scatter-overwrite: set masked positions to the scalar sum
                Gk = Gk.at[batch, j].set(jnp.where(where_ones, s, Gk[batch, j]))
            cur_batch_list.append(Gk)
        for (i_lo, j_hi) in itertools.combinations(range(1, MAXK + 1), 2):
            pair = (cur_batch_list[i_lo - 1], cur_batch_list[j_hi - 1])
            norm = sigma_dis - jnp.linalg.norm(pair[0] - pair[1], axis=1)
            D_ki_kj = jnp.where(norm > 0.0, norm, jnp.zeros_like(norm))
            D_ki_kj = jnp.log(D_ki_kj ** 2 + 1)
            valid = j_hi <= num_kernel
            L_dis = L_dis + jnp.where(valid, D_ki_kj, jnp.zeros_like(D_ki_kj))
    L_dis = jnp.sum(jnp.sum(L_dis, axis=(1, 2)), axis=0)
    return L_dis

if __name__ == "__main__":
    import jax
    _d = setup_inputs()
    print(jax.jit(kernel)(*tuple(_d.values())))

</pallas_src>

<mosaic_0001>
#map = affine_map<(d0, d1) -> (0, 0, 0, 0)>
#map1 = affine_map<(d0, d1) -> (0, 0)>
module attributes {stable_mosaic.version = 14 : i64} {
  func.func @_binned_sums(%arg0: i32, %arg1: i32, %arg2: memref<2x4x512x512xf32, #tpu.memory_space<hbm>>, %arg3: memref<2x1x512x512xi32, #tpu.memory_space<hbm>>, %arg4: memref<32x400xf32, #tpu.memory_space<hbm>>, %arg5: memref<2x8x512xi32, #tpu.memory_space<vmem>>, %arg6: memref<2x4x8x512xf32, #tpu.memory_space<vmem>>, %arg7: memref<80xf32, #tpu.memory_space<vmem>>, %arg8: memref<80xf32, #tpu.memory_space<vmem>>, %arg9: memref<80xf32, #tpu.memory_space<vmem>>, %arg10: memref<80xf32, #tpu.memory_space<vmem>>, %arg11: memref<80xf32, #tpu.memory_space<vmem>>, %arg12: memref<400xf32, #tpu.memory_space<vmem>>, %arg13: memref<!tpu.dma_semaphore, #tpu.memory_space<semaphore_mem>>, %arg14: memref<!tpu.dma_semaphore, #tpu.memory_space<semaphore_mem>>) attributes {dimension_semantics = [#tpu.dimension_semantics<core_parallel>, #tpu.dimension_semantics<subcore_parallel>], iteration_bounds = array<i64: 2, 16>, scalar_prefetch = 0 : i64, scratch_operands = 10 : i64, tpu.core_type = #tpu.core_type<sc_vector_subcore>, window_params = [{transform_indices = #map}, {transform_indices = #map}, {transform_indices = #map1}]} {
    %mul3A = arith.constant 8 : i32
    %mul3A_0 = arith.muli %arg1, %mul3A : i32
    %broadcast_in_dim3A = arith.constant 0.000000e+00 : f32
    %broadcast_in_dim3A_1 = vector.broadcast %broadcast_in_dim3A : f32 to vector<16xf32>
    %swap3A = arith.constant 0 : index
    %swap3A_2 = tpu.vector_load %arg7[%swap3A] {strides = array<i32>} : memref<80xf32, #tpu.memory_space<vmem>>, vector<16xf32>,
    tpu.vector_store %arg7[%swap3A], %broadcast_in_dim3A_1 {strides = array<i32>} : memref<80xf32, #tpu.memory_space<vmem>>, vector<16xf32>,
    %swap3A_3 = arith.constant 16 : index
    %swap3A_4 = tpu.vector_load %arg7[%swap3A_3] {strides = array<i32>} : memref<80xf32, #tpu.memory_space<vmem>>, vector<16xf32>,
    tpu.vector_store %arg7[%swap3A_3], %broadcast_in_dim3A_1 {strides = array<i32>} : memref<80xf32, #tpu.memory_space<vmem>>, vector<16xf32>,
    %swap3A_5 = arith.constant 32 : index
    %swap3A_6 = tpu.vector_load %arg7[%swap3A_5] {strides = array<i32>} : memref<80xf32, #tpu.memory_space<vmem>>, vector<16xf32>,
    tpu.vector_store %arg7[%swap3A_5], %broadcast_in_dim3A_1 {strides = array<i32>} : memref<80xf32, #tpu.memory_space<vmem>>, vector<16xf32>,
    %swap3A_7 = arith.constant 48 : index
    %swap3A_8 = tpu.vector_load %arg7[%swap3A_7] {strides = array<i32>} : memref<80xf32, #tpu.memory_space<vmem>>, vector<16xf32>,
    tpu.vector_store %arg7[%swap3A_7], %broadcast_in_dim3A_1 {strides = array<i32>} : memref<80xf32, #tpu.memory_space<vmem>>, vector<16xf32>,
    %swap3A_9 = arith.constant 64 : index
    %swap3A_10 = tpu.vector_load %arg7[%swap3A_9] {strides = array<i32>} : memref<80xf32, #tpu.memory_space<vmem>>, vector<16xf32>,
    tpu.vector_store %arg7[%swap3A_9], %broadcast_in_dim3A_1 {strides = array<i32>} : memref<80xf32, #tpu.memory_space<vmem>>, vector<16xf32>,
    %swap3A_11 = arith.constant 0 : index
    %swap3A_12 = tpu.vector_load %arg8[%swap3A_11] {strides = array<i32>} : memref<80xf32, #tpu.memory_space<vmem>>, vector<16xf32>,
    tpu.vector_store %arg8[%swap3A_11], %broadcast_in_dim3A_1 {strides = array<i32>} : memref<80xf32, #tpu.memory_space<vmem>>, vector<16xf32>,
    %swap3A_13 = arith.constant 16 : index
    %swap3A_14 = tpu.vector_load %arg8[%swap3A_13] {strides = array<i32>} : memref<80xf32, #tpu.memory_space<vmem>>, vector<16xf32>,
    tpu.vector_store %arg8[%swap3A_13], %broadcast_in_dim3A_1 {strides = array<i32>} : memref<80xf32, #tpu.memory_space<vmem>>, vector<16xf32>,
    %swap3A_15 = arith.constant 32 : index
    %swap3A_16 = tpu.vector_load %arg8[%swap3A_15] {strides = array<i32>} : memref<80xf32, #tpu.memory_space<vmem>>, vector<16xf32>,
    tpu.vector_store %arg8[%swap3A_15], %broadcast_in_dim3A_1 {strides = array<i32>} : memref<80xf32, #tpu.memory_space<vmem>>, vector<16xf32>,
    %swap3A_17 = arith.constant 48 : index
    %swap3A_18 = tpu.vector_load %arg8[%swap3A_17] {strides = array<i32>} : memref<80xf32, #tpu.memory_space<vmem>>, vector<16xf32>,
    tpu.vector_store %arg8[%swap3A_17], %broadcast_in_dim3A_1 {strides = array<i32>} : memref<80xf32, #tpu.memory_space<vmem>>, vector<16xf32>,
    %swap3A_19 = arith.constant 64 : index
    %swap3A_20 = tpu.vector_load %arg8[%swap3A_19] {strides = array<i32>} : memref<80xf32, #tpu.memory_space<vmem>>, vector<16xf32>,
    tpu.vector_store %arg8[%swap3A_19], %broadcast_in_dim3A_1 {strides = array<i32>} : memref<80xf32, #tpu.memory_space<vmem>>, vector<16xf32>,
    %swap3A_21 = arith.constant 0 : index
    %swap3A_22 = tpu.vector_load %arg9[%swap3A_21] {strides = array<i32>} : memref<80xf32, #tpu.memory_space<vmem>>, vector<16xf32>,
    tpu.vector_store %arg9[%swap3A_21], %broadcast_in_dim3A_1 {strides = array<i32>} : memref<80xf32, #tpu.memory_space<vmem>>, vector<16xf32>,
    %swap3A_23 = arith.constant 16 : index
    %swap3A_24 = tpu.vector_load %arg9[%swap3A_23] {strides = array<i32>} : memref<80xf32, #tpu.memory_space<vmem>>, vector<16xf32>,
    tpu.vector_store %arg9[%swap3A_23], %broadcast_in_dim3A_1 {strides = array<i32>} : memref<80xf32, #tpu.memory_space<vmem>>, vector<16xf32>,
    %swap3A_25 = arith.constant 32 : index
    %swap3A_26 = tpu.vector_load %arg9[%swap3A_25] {strides = array<i32>} : memref<80xf32, #tpu.memory_space<vmem>>, vector<16xf32>,
    tpu.vector_store %arg9[%swap3A_25], %broadcast_in_dim3A_1 {strides = array<i32>} : memref<80xf32, #tpu.memory_space<vmem>>, vector<16xf32>,
    %swap3A_27 = arith.constant 48 : index
    %swap3A_28 = tpu.vector_load %arg9[%swap3A_27] {strides = array<i32>} : memref<80xf32, #tpu.memory_space<vmem>>, vector<16xf32>,
    tpu.vector_store %arg9[%swap3A_27], %broadcast_in_dim3A_1 {strides = array<i32>} : memref<80xf32, #tpu.memory_space<vmem>>, vector<16xf32>,
    %swap3A_29 = arith.constant 64 : index
    %swap3A_30 = tpu.vector_load %arg9[%swap3A_29] {strides = array<i32>} : memref<80xf32, #tpu.memory_space<vmem>>, vector<16xf32>,
    tpu.vector_store %arg9[%swap3A_29], %broadcast_in_dim3A_1 {strides = array<i32>} : memref<80xf32, #tpu.memory_space<vmem>>, vector<16xf32>,
    %swap3A_31 = arith.constant 0 : index
    %swap3A_32 = tpu.vector_load %arg10[%swap3A_31] {strides = array<i32>} : memref<80xf32, #tpu.memory_space<vmem>>, vector<16xf32>,
    tpu.vector_store %arg10[%swap3A_31], %broadcast_in_dim3A_1 {strides = array<i32>} : memref<80xf32, #tpu.memory_space<vmem>>, vector<16xf32>,
    %swap3A_33 = arith.constant 16 : index
    %swap3A_34 = tpu.vector_load %arg10[%swap3A_33] {strides = array<i32>} : memref<80xf32, #tpu.memory_space<vmem>>, vector<16xf32>,
    tpu.vector_store %arg10[%swap3A_33], %broadcast_in_dim3A_1 {strides = array<i32>} : memref<80xf32, #tpu.memory_space<vmem>>, vector<16xf32>,
    %swap3A_35 = arith.constant 32 : index
    %swap3A_36 = tpu.vector_load %arg10[%swap3A_35] {strides = array<i32>} : memref<80xf32, #tpu.memory_space<vmem>>, vector<16xf32>,
    tpu.vector_store %arg10[%swap3A_35], %broadcast_in_dim3A_1 {strides = array<i32>} : memref<80xf32, #tpu.memory_space<vmem>>, vector<16xf32>,
    %swap3A_37 = arith.constant 48 : index
    %swap3A_38 = tpu.vector_load %arg10[%swap3A_37] {strides = array<i32>} : memref<80xf32, #tpu.memory_space<vmem>>, vector<16xf32>,
    tpu.vector_store %arg10[%swap3A_37], %broadcast_in_dim3A_1 {strides = array<i32>} : memref<80xf32, #tpu.memory_space<vmem>>, vector<16xf32>,
    %swap3A_39 = arith.constant 64 : index
    %swap3A_40 = tpu.vector_load %arg10[%swap3A_39] {strides = array<i32>} : memref<80xf32, #tpu.memory_space<vmem>>, vector<16xf32>,
    tpu.vector_store %arg10[%swap3A_39], %broadcast_in_dim3A_1 {strides = array<i32>} : memref<80xf32, #tpu.memory_space<vmem>>, vector<16xf32>,
    %swap3A_41 = arith.constant 0 : index
    %swap3A_42 = tpu.vector_load %arg11[%swap3A_41] {strides = array<i32>} : memref<80xf32, #tpu.memory_space<vmem>>, vector<16xf32>,
    tpu.vector_store %arg11[%swap3A_41], %broadcast_in_dim3A_1 {strides = array<i32>} : memref<80xf32, #tpu.memory_space<vmem>>, vector<16xf32>,
    %swap3A_43 = arith.constant 16 : index
    %swap3A_44 = tpu.vector_load %arg11[%swap3A_43] {strides = array<i32>} : memref<80xf32, #tpu.memory_space<vmem>>, vector<16xf32>,
    tpu.vector_store %arg11[%swap3A_43], %broadcast_in_dim3A_1 {strides = array<i32>} : memref<80xf32, #tpu.memory_space<vmem>>, vector<16xf32>,
    %swap3A_45 = arith.constant 32 : index
    %swap3A_46 = tpu.vector_load %arg11[%swap3A_45] {strides = array<i32>} : memref<80xf32, #tpu.memory_space<vmem>>, vector<16xf32>,
    tpu.vector_store %arg11[%swap3A_45], %broadcast_in_dim3A_1 {strides = array<i32>} : memref<80xf32, #tpu.memory_space<vmem>>, vector<16xf32>,
    %swap3A_47 = arith.constant 48 : index
    %swap3A_48 = tpu.vector_load %arg11[%swap3A_47] {strides = array<i32>} : memref<80xf32, #tpu.memory_space<vmem>>, vector<16xf32>,
    tpu.vector_store %arg11[%swap3A_47], %broadcast_in_dim3A_1 {strides = array<i32>} : memref<80xf32, #tpu.memory_space<vmem>>, vector<16xf32>,
    %swap3A_49 = arith.constant 64 : index
    %swap3A_50 = tpu.vector_load %arg11[%swap3A_49] {strides = array<i32>} : memref<80xf32, #tpu.memory_space<vmem>>, vector<16xf32>,
    tpu.vector_store %arg11[%swap3A_49], %broadcast_in_dim3A_1 {strides = array<i32>} : memref<80xf32, #tpu.memory_space<vmem>>, vector<16xf32>,
    %iota3A = tpu.iota {dimensions = array<i32: 0>} : vector<16xi32>
    %broadcast_in_dim3A_51 = arith.constant 1.000000e+00 : f32
    %broadcast_in_dim3A_52 = vector.broadcast %broadcast_in_dim3A_51 : f32 to vector<16xf32>
    %add3A = arith.constant 0 : i32
    %add3A_53 = arith.addi %mul3A_0, %add3A : i32
    %dma_start3A = arith.constant 0 : i32
    %dma_start3A_54 = arith.constant 0 : i32
    %dma_start3A_55 = arith.constant 0 : i32
    %dma_start3A_56 = arith.constant 0 : i32
    %dma_start3A_57 = tpu.memref_slice %arg5[%dma_start3A_54, %dma_start3A_55, %dma_start3A_56] : memref<2x8x512xi32, #tpu.memory_space<vmem>> -> memref<1x8x512xi32, #tpu.memory_space<vmem>>
    %dma_start3A_58 = tpu.memref_squeeze %dma_start3A_57 : memref<1x8x512xi32, #tpu.memory_space<vmem>> -> memref<8x512xi32, #tpu.memory_space<vmem>>
    %dma_start3A_59 = arith.constant 0 : i32
    %dma_start3A_60 = tpu.memref_slice %arg3[%arg0, %dma_start3A, %add3A_53, %dma_start3A_59] : memref<2x1x512x512xi32, #tpu.memory_space<hbm>> -> memref<1x1x8x512xi32, #tpu.memory_space<hbm>>
    %dma_start3A_61 = tpu.memref_squeeze %dma_start3A_60 : memref<1x1x8x512xi32, #tpu.memory_space<hbm>> -> memref<8x512xi32, #tpu.memory_space<hbm>>
    %dma_start3A_62 = arith.constant 0 : i32
    %dma_start3A_63 = arith.constant 0 : i32
    %dma_start3A_64 = tpu.memref_slice %arg5[%dma_start3A_54, %dma_start3A_62, %dma_start3A_63] : memref<2x8x512xi32, #tpu.memory_space<vmem>> -> memref<1x8x512xi32, #tpu.memory_space<vmem>>
    %dma_start3A_65 = tpu.memref_squeeze %dma_start3A_64 : memref<1x8x512xi32, #tpu.memory_space<vmem>> -> memref<8x512xi32, #tpu.memory_space<vmem>>
    %dma_start3A_66 = arith.constant 0 : i32
    %dma_start3A_67 = tpu.memref_slice %arg3[%arg0, %dma_start3A, %add3A_53, %dma_start3A_66] : memref<2x1x512x512xi32, #tpu.memory_space<hbm>> -> memref<1x1x8x512xi32, #tpu.memory_space<hbm>>
    %dma_start3A_68 = tpu.memref_squeeze %dma_start3A_67 : memref<1x1x8x512xi32, #tpu.memory_space<hbm>> -> memref<8x512xi32, #tpu.memory_space<hbm>>
    tpu.enqueue_dma source(%dma_start3A_68 : memref<8x512xi32, #tpu.memory_space<hbm>>) target(%dma_start3A_65 : memref<8x512xi32, #tpu.memory_space<vmem>>) target_semaphore(%arg13 : memref<!tpu.dma_semaphore, #tpu.memory_space<semaphore_mem>>)
    %dma_start3A_69 = arith.constant 0 : i32
    %dma_start3A_70 = arith.constant 0 : i32
    %dma_start3A_71 = arith.constant 0 : i32
    %dma_start3A_72 = arith.constant 0 : i32
    %dma_start3A_73 = tpu.memref_slice %arg6[%dma_start3A_69, %dma_start3A_70, %dma_start3A_71, %dma_start3A_72] : memref<2x4x8x512xf32, #tpu.memory_space<vmem>> -> memref<1x4x8x512xf32, #tpu.memory_space<vmem>>
    %dma_start3A_74 = tpu.memref_squeeze %dma_start3A_73 : memref<1x4x8x512xf32, #tpu.memory_space<vmem>> -> memref<4x8x512xf32, #tpu.memory_space<vmem>>
    %dma_start3A_75 = arith.constant 0 : i32
    %dma_start3A_76 = arith.constant 0 : i32
    %dma_start3A_77 = tpu.memref_slice %arg2[%arg0, %dma_start3A_75, %add3A_53, %dma_start3A_76] : memref<2x4x512x512xf32, #tpu.memory_space<hbm>> -> memref<1x4x8x512xf32, #tpu.memory_space<hbm>>
    %dma_start3A_78 = tpu.memref_squeeze %dma_start3A_77 : memref<1x4x8x512xf32, #tpu.memory_space<hbm>> -> memref<4x8x512xf32, #tpu.memory_space<hbm>>
    %dma_start3A_79 = arith.constant 0 : i32
    %dma_start3A_80 = arith.constant 0 : i32
    %dma_start3A_81 = arith.constant 0 : i32
    %dma_start3A_82 = tpu.memref_slice %arg6[%dma_start3A_69, %dma_start3A_79, %dma_start3A_80, %dma_start3A_81] : memref<2x4x8x512xf32, #tpu.memory_space<vmem>> -> memref<1x4x8x512xf32, #tpu.memory_space<vmem>>
    %dma_start3A_83 = tpu.memref_squeeze %dma_start3A_82 : memref<1x4x8x512xf32, #tpu.memory_space<vmem>> -> memref<4x8x512xf32, #tpu.memory_space<vmem>>
    %dma_start3A_84 = arith.constant 0 : i32
    %dma_start3A_85 = arith.constant 0 : i32
    %dma_start3A_86 = tpu.memref_slice %arg2[%arg0, %dma_start3A_84, %add3A_53, %dma_start3A_85] : memref<2x4x512x512xf32, #tpu.memory_space<hbm>> -> memref<1x4x8x512xf32, #tpu.memory_space<hbm>>
    %dma_start3A_87 = tpu.memref_squeeze %dma_start3A_86 : memref<1x4x8x512xf32, #tpu.memory_space<hbm>> -> memref<4x8x512xf32, #tpu.memory_space<hbm>>
    tpu.enqueue_dma source(%dma_start3A_87 : memref<4x8x512xf32, #tpu.memory_space<hbm>>) target(%dma_start3A_83 : memref<4x8x512xf32, #tpu.memory_space<vmem>>) target_semaphore(%arg13 : memref<!tpu.dma_semaphore, #tpu.memory_space<semaphore_mem>>)
    %dma_wait3A = arith.constant 0 : i32
    %dma_wait3A_88 = arith.constant 0 : i32
    %dma_wait3A_89 = arith.constant 0 : i32
    %dma_wait3A_90 = arith.constant 0 : i32
    %dma_wait3A_91 = tpu.memref_slice %arg5[%dma_wait3A_88, %dma_wait3A_89, %dma_wait3A_90] : memref<2x8x512xi32, #tpu.memory_space<vmem>> -> memref<1x8x512xi32, #tpu.memory_space<vmem>>
    %dma_wait3A_92 = tpu.memref_squeeze %dma_wait3A_91 : memref<1x8x512xi32, #tpu.memory_space<vmem>> -> memref<8x512xi32, #tpu.memory_space<vmem>>
    %dma_wait3A_93 = arith.constant 0 : i32
    %dma_wait3A_94 = tpu.memref_slice %arg3[%arg0, %dma_wait3A, %add3A_53, %dma_wait3A_93] : memref<2x1x512x512xi32, #tpu.memory_space<hbm>> -> memref<1x1x8x512xi32, #tpu.memory_space<hbm>>
    %dma_wait3A_95 = tpu.memref_squeeze %dma_wait3A_94 : memref<1x1x8x512xi32, #tpu.memory_space<hbm>> -> memref<8x512xi32, #tpu.memory_space<hbm>>
    %dma_wait3A_96 = arith.constant 0 : i32
    %dma_wait3A_97 = arith.constant 0 : i32
    %dma_wait3A_98 = tpu.memref_slice %arg5[%dma_wait3A_88, %dma_wait3A_96, %dma_wait3A_97] : memref<2x8x512xi32, #tpu.memory_space<vmem>> -> memref<1x8x512xi32, #tpu.memory_space<vmem>>
    %dma_wait3A_99 = tpu.memref_squeeze %dma_wait3A_98 : memref<1x8x512xi32, #tpu.memory_space<vmem>> -> memref<8x512xi32, #tpu.memory_space<vmem>>
    %dma_wait3A_100 = arith.constant 0 : i32
    %dma_wait3A_101 = tpu.memref_slice %arg3[%arg0, %dma_wait3A, %add3A_53, %dma_wait3A_100] : memref<2x1x512x512xi32, #tpu.memory_space<hbm>> -> memref<1x1x8x512xi32, #tpu.memory_space<hbm>>
    %dma_wait3A_102 = tpu.memref_squeeze %dma_wait3A_101 : memref<1x1x8x512xi32, #tpu.memory_space<hbm>> -> memref<8x512xi32, #tpu.memory_space<hbm>>
    tpu.wait_dma2 semaphore(%arg13 : memref<!tpu.dma_semaphore, #tpu.memory_space<semaphore_mem>>) src(%dma_wait3A_102 : memref<8x512xi32, #tpu.memory_space<hbm>>) dst(%dma_wait3A_99 : memref<8x512xi32, #tpu.memory_space<vmem>>)
    %dma_wait3A_103 = arith.constant 0 : i32
    %dma_wait3A_104 = arith.constant 0 : i32
    %dma_wait3A_105 = arith.constant 0 : i32
    %dma_wait3A_106 = arith.constant 0 : i32
    %dma_wait3A_107 = tpu.memref_slice %arg6[%dma_wait3A_103, %dma_wait3A_104, %dma_wait3A_105, %dma_wait3A_106] : memref<2x4x8x512xf32, #tpu.memory_space<vmem>> -> memref<1x4x8x512xf32, #tpu.memory_space<vmem>>
    %dma_wait3A_108 = tpu.memref_squeeze %dma_wait3A_107 : memref<1x4x8x512xf32, #tpu.memory_space<vmem>> -> memref<4x8x512xf32, #tpu.memory_space<vmem>>
    %dma_wait3A_109 = arith.constant 0 : i32
    %dma_wait3A_110 = arith.constant 0 : i32
    %dma_wait3A_111 = tpu.memref_slice %arg2[%arg0, %dma_wait3A_109, %add3A_53, %dma_wait3A_110] : memref<2x4x512x512xf32, #tpu.memory_space<hbm>> -> memref<1x4x8x512xf32, #tpu.memory_space<hbm>>
    %dma_wait3A_112 = tpu.memref_squeeze %dma_wait3A_111 : memref<1x4x8x512xf32, #tpu.memory_space<hbm>> -> memref<4x8x512xf32, #tpu.memory_space<hbm>>
    %dma_wait3A_113 = arith.constant 0 : i32
    %dma_wait3A_114 = arith.constant 0 : i32
    %dma_wait3A_115 = arith.constant 0 : i32
    %dma_wait3A_116 = tpu.memref_slice %arg6[%dma_wait3A_103, %dma_wait3A_113, %dma_wait3A_114, %dma_wait3A_115] : memref<2x4x8x512xf32, #tpu.memory_space<vmem>> -> memref<1x4x8x512xf32, #tpu.memory_space<vmem>>
    %dma_wait3A_117 = tpu.memref_squeeze %dma_wait3A_116 : memref<1x4x8x512xf32, #tpu.memory_space<vmem>> -> memref<4x8x512xf32, #tpu.memory_space<vmem>>
    %dma_wait3A_118 = arith.constant 0 : i32
    %dma_wait3A_119 = arith.constant 0 : i32
    %dma_wait3A_120 = tpu.memref_slice %arg2[%arg0, %dma_wait3A_118, %add3A_53, %dma_wait3A_119] : memref<2x4x512x512xf32, #tpu.memory_space<hbm>> -> memref<1x4x8x512xf32, #tpu.memory_space<hbm>>
    %dma_wait3A_121 = tpu.memref_squeeze %dma_wait3A_120 : memref<1x4x8x512xf32, #tpu.memory_space<hbm>> -> memref<4x8x512xf32, #tpu.memory_space<hbm>>
    tpu.wait_dma2 semaphore(%arg13 : memref<!tpu.dma_semaphore, #tpu.memory_space<semaphore_mem>>) src(%dma_wait3A_121 : memref<4x8x512xf32, #tpu.memory_space<hbm>>) dst(%dma_wait3A_117 : memref<4x8x512xf32, #tpu.memory_space<vmem>>)
    %parallel_loop3A = arith.constant 0 : i32
    %parallel_loop3A_122 = arith.constant 256 : i32
    %parallel_loop3A_123 = arith.constant 1 : i32
    scf.for %parallel_loop3A_226 = %parallel_loop3A to %parallel_loop3A_122 step %parallel_loop3A_123  : i32 {
      %parallel_loop3A_227 = arith.constant 32 : i32
      %parallel_loop3A_228 = arith.divsi %parallel_loop3A_226, %parallel_loop3A_227 : i32
      %parallel_loop3A_229 = arith.constant 0 : i32
      %parallel_loop3A_230 = arith.cmpi sgt, %parallel_loop3A_226, %parallel_loop3A_229 : i32
      %parallel_loop3A_231 = arith.extui %parallel_loop3A_230 : i1 to i32
      %parallel_loop3A_232 = arith.constant 0 : i32
      %parallel_loop3A_233 = arith.cmpi slt, %parallel_loop3A_226, %parallel_loop3A_232 : i32
      %parallel_loop3A_234 = arith.extui %parallel_loop3A_233 : i1 to i32
      %parallel_loop3A_235 = arith.subi %parallel_loop3A_231, %parallel_loop3A_234 : i32
      %parallel_loop3A_236 = arith.constant 0 : i32
      %parallel_loop3A_237 = arith.cmpi sgt, %parallel_loop3A_227, %parallel_loop3A_236 : i32
      %parallel_loop3A_238 = arith.extui %parallel_loop3A_237 : i1 to i32
      %parallel_loop3A_239 = arith.constant 0 : i32
      %parallel_loop3A_240 = arith.cmpi slt, %parallel_loop3A_227, %parallel_loop3A_239 : i32
      %parallel_loop3A_241 = arith.extui %parallel_loop3A_240 : i1 to i32
      %parallel_loop3A_242 = arith.subi %parallel_loop3A_238, %parallel_loop3A_241 : i32
      %parallel_loop3A_243 = arith.cmpi ne, %parallel_loop3A_235, %parallel_loop3A_242 : i32
      %parallel_loop3A_244 = arith.remsi %parallel_loop3A_226, %parallel_loop3A_227 : i32
      %parallel_loop3A_245 = arith.constant 0 : i32
      %parallel_loop3A_246 = arith.cmpi ne, %parallel_loop3A_244, %parallel_loop3A_245 : i32
      %parallel_loop3A_247 = arith.andi %parallel_loop3A_243, %parallel_loop3A_246 : i1
      %parallel_loop3A_248 = arith.constant 1 : i32
      %parallel_loop3A_249 = arith.subi %parallel_loop3A_228, %parallel_loop3A_248 : i32
      %parallel_loop3A_250 = arith.select %parallel_loop3A_247, %parallel_loop3A_249, %parallel_loop3A_228 : i32
      %parallel_loop3A_251 = arith.constant 32 : i32
      %parallel_loop3A_252 = arith.constant 0 : i32
      %parallel_loop3A_253 = arith.cmpi eq, %parallel_loop3A_251, %parallel_loop3A_252 : i32
      %parallel_loop3A_254 = arith.constant 1 : i32
      %parallel_loop3A_255 = arith.select %parallel_loop3A_253, %parallel_loop3A_254, %parallel_loop3A_251 : i32
      %parallel_loop3A_256 = arith.remsi %parallel_loop3A_226, %parallel_loop3A_255 : i32
      %parallel_loop3A_257 = arith.constant 0 : i32
      %parallel_loop3A_258 = arith.cmpi ne, %parallel_loop3A_256, %parallel_loop3A_257 : i32
      %parallel_loop3A_259 = arith.constant 0 : i32
      %parallel_loop3A_260 = arith.cmpi slt, %parallel_loop3A_256, %parallel_loop3A_259 : i32
      %parallel_loop3A_261 = arith.constant 0 : i32
      %parallel_loop3A_262 = arith.cmpi slt, %parallel_loop3A_255, %parallel_loop3A_261 : i32
      %parallel_loop3A_263 = arith.xori %parallel_loop3A_260, %parallel_loop3A_262 : i1
      %parallel_loop3A_264 = arith.andi %parallel_loop3A_263, %parallel_loop3A_258 : i1
      %parallel_loop3A_265 = arith.addi %parallel_loop3A_256, %parallel_loop3A_255 : i32
      %parallel_loop3A_266 = arith.select %parallel_loop3A_264, %parallel_loop3A_265, %parallel_loop3A_256 : i32
      %parallel_loop3A_267 = arith.constant 16 : i32
      %parallel_loop3A_268 = arith.muli %parallel_loop3A_266, %parallel_loop3A_267 : i32
      %parallel_loop3A_269 = arith.constant 0 : i32
      %parallel_loop3A_270 = arith.index_cast %parallel_loop3A_269 : i32 to index
      %parallel_loop3A_271 = arith.index_cast %parallel_loop3A_250 : i32 to index
      %parallel_loop3A_272 = arith.index_cast %parallel_loop3A_268 : i32 to index
      %parallel_loop3A_273 = tpu.vector_load %arg5[%parallel_loop3A_270, %parallel_loop3A_271, %parallel_loop3A_272] {strides = array<i32>} : memref<2x8x512xi32, #tpu.memory_space<vmem>>, vector<16xi32>,
      %parallel_loop3A_274 = arith.constant 16 : i32
      %parallel_loop3A_275 = vector.broadcast %parallel_loop3A_274 : i32 to vector<16xi32>
      %parallel_loop3A_276 = arith.muli %parallel_loop3A_273, %parallel_loop3A_275 : vector<16xi32>
      %parallel_loop3A_277 = arith.addi %parallel_loop3A_276, %iota3A : vector<16xi32>
      tpu.vector_store_idx %arg7[%parallel_loop3A_277], %broadcast_in_dim3A_52 {add = true} : memref<80xf32, #tpu.memory_space<vmem>>[vector<16xi32>], vector<16xf32>,
      %parallel_loop3A_278 = arith.constant 0 : i32
      %parallel_loop3A_279 = arith.constant 0 : i32
      %parallel_loop3A_280 = arith.index_cast %parallel_loop3A_278 : i32 to index
      %parallel_loop3A_281 = arith.index_cast %parallel_loop3A_279 : i32 to index
      %parallel_loop3A_282 = arith.index_cast %parallel_loop3A_250 : i32 to index
      %parallel_loop3A_283 = arith.index_cast %parallel_loop3A_268 : i32 to index
      %parallel_loop3A_284 = tpu.vector_load %arg6[%parallel_loop3A_280, %parallel_loop3A_281, %parallel_loop3A_282, %parallel_loop3A_283] {strides = array<i32>} : memref<2x4x8x512xf32, #tpu.memory_space<vmem>>, vector<16xf32>,
      tpu.vector_store_idx %arg8[%parallel_loop3A_277], %parallel_loop3A_284 {add = true} : memref<80xf32, #tpu.memory_space<vmem>>[vector<16xi32>], vector<16xf32>,
      %parallel_loop3A_285 = arith.constant 0 : i32
      %parallel_loop3A_286 = arith.constant 1 : i32
      %parallel_loop3A_287 = arith.index_cast %parallel_loop3A_285 : i32 to index
      %parallel_loop3A_288 = arith.index_cast %parallel_loop3A_286 : i32 to index
      %parallel_loop3A_289 = arith.index_cast %parallel_loop3A_250 : i32 to index
      %parallel_loop3A_290 = arith.index_cast %parallel_loop3A_268 : i32 to index
      %parallel_loop3A_291 = tpu.vector_load %arg6[%parallel_loop3A_287, %parallel_loop3A_288, %parallel_loop3A_289, %parallel_loop3A_290] {strides = array<i32>} : memref<2x4x8x512xf32, #tpu.memory_space<vmem>>, vector<16xf32>,
      tpu.vector_store_idx %arg9[%parallel_loop3A_277], %parallel_loop3A_291 {add = true} : memref<80xf32, #tpu.memory_space<vmem>>[vector<16xi32>], vector<16xf32>,
      %parallel_loop3A_292 = arith.constant 0 : i32
      %parallel_loop3A_293 = arith.constant 2 : i32
      %parallel_loop3A_294 = arith.index_cast %parallel_loop3A_292 : i32 to index
      %parallel_loop3A_295 = arith.index_cast %parallel_loop3A_293 : i32 to index
      %parallel_loop3A_296 = arith.index_cast %parallel_loop3A_250 : i32 to index
      %parallel_loop3A_297 = arith.index_cast %parallel_loop3A_268 : i32 to index
      %parallel_loop3A_298 = tpu.vector_load %arg6[%parallel_loop3A_294, %parallel_loop3A_295, %parallel_loop3A_296, %parallel_loop3A_297] {strides = array<i32>} : memref<2x4x8x512xf32, #tpu.memory_space<vmem>>, vector<16xf32>,
      tpu.vector_store_idx %arg10[%parallel_loop3A_277], %parallel_loop3A_298 {add = true} : memref<80xf32, #tpu.memory_space<vmem>>[vector<16xi32>], vector<16xf32>,
      %parallel_loop3A_299 = arith.constant 0 : i32
      %parallel_loop3A_300 = arith.constant 3 : i32
      %parallel_loop3A_301 = arith.index_cast %parallel_loop3A_299 : i32 to index
      %parallel_loop3A_302 = arith.index_cast %parallel_loop3A_300 : i32 to index
      %parallel_loop3A_303 = arith.index_cast %parallel_loop3A_250 : i32 to index
      %parallel_loop3A_304 = arith.index_cast %parallel_loop3A_268 : i32 to index
      %parallel_loop3A_305 = tpu.vector_load %arg6[%parallel_loop3A_301, %parallel_loop3A_302, %parallel_loop3A_303, %parallel_loop3A_304] {strides = array<i32>} : memref<2x4x8x512xf32, #tpu.memory_space<vmem>>, vector<16xf32>,
      tpu.vector_store_idx %arg11[%parallel_loop3A_277], %parallel_loop3A_305 {add = true} : memref<80xf32, #tpu.memory_space<vmem>>[vector<16xi32>], vector<16xf32>,
    } {sc.loop_unroll_factor = 8 : i64, sc.parallel_access}
    %mul3A_124 = arith.constant 16 : i32
    %mul3A_125 = arith.muli %arg0, %mul3A_124 : i32
    %add3A_126 = arith.addi %mul3A_125, %arg1 : i32
    %get3A = arith.constant 0 : index
    %get3A_127 = tpu.vector_load %arg7[%get3A] {strides = array<i32>} : memref<80xf32, #tpu.memory_space<vmem>>, vector<16xf32>,
    %swap3A_128 = arith.constant 0 : index
    %swap3A_129 = tpu.vector_load %arg12[%swap3A_128] {strides = array<i32>} : memref<400xf32, #tpu.memory_space<vmem>>, vector<16xf32>,
    tpu.vector_store %arg12[%swap3A_128], %get3A_127 {strides = array<i32>} : memref<400xf32, #tpu.memory_space<vmem>>, vector<16xf32>,
    %get3A_130 = arith.constant 16 : index
    %get3A_131 = tpu.vector_load %arg7[%get3A_130] {strides = array<i32>} : memref<80xf32, #tpu.memory_space<vmem>>, vector<16xf32>,
    %swap3A_132 = arith.constant 16 : index
    %swap3A_133 = tpu.vector_load %arg12[%swap3A_132] {strides = array<i32>} : memref<400xf32, #tpu.memory_space<vmem>>, vector<16xf32>,
    tpu.vector_store %arg12[%swap3A_132], %get3A_131 {strides = array<i32>} : memref<400xf32, #tpu.memory_space<vmem>>, vector<16xf32>,
    %get3A_134 = arith.constant 32 : index
    %get3A_135 = tpu.vector_load %arg7[%get3A_134] {strides = array<i32>} : memref<80xf32, #tpu.memory_space<vmem>>, vector<16xf32>,
    %swap3A_136 = arith.constant 32 : index
    %swap3A_137 = tpu.vector_load %arg12[%swap3A_136] {strides = array<i32>} : memref<400xf32, #tpu.memory_space<vmem>>, vector<16xf32>,
    tpu.vector_store %arg12[%swap3A_136], %get3A_135 {strides = array<i32>} : memref<400xf32, #tpu.memory_space<vmem>>, vector<16xf32>,
    %get3A_138 = arith.constant 48 : index
    %get3A_139 = tpu.vector_load %arg7[%get3A_138] {strides = array<i32>} : memref<80xf32, #tpu.memory_space<vmem>>, vector<16xf32>,
    %swap3A_140 = arith.constant 48 : index
    %swap3A_141 = tpu.vector_load %arg12[%swap3A_140] {strides = array<i32>} : memref<400xf32, #tpu.memory_space<vmem>>, vector<16xf32>,
    tpu.vector_store %arg12[%swap3A_140], %get3A_139 {strides = array<i32>} : memref<400xf32, #tpu.memory_space<vmem>>, vector<16xf32>,
    %get3A_142 = arith.constant 64 : index
    %get3A_143 = tpu.vector_load %arg7[%get3A_142] {strides = array<i32>} : memref<80xf32, #tpu.memory_space<vmem>>, vector<16xf32>,
    %swap3A_144 = arith.constant 64 : index
    %swap3A_145 = tpu.vector_load %arg12[%swap3A_144] {strides = array<i32>} : memref<400xf32, #tpu.memory_space<vmem>>, vector<16xf32>,
    tpu.vector_store %arg12[%swap3A_144], %get3A_143 {strides = array<i32>} : memref<400xf32, #tpu.memory_space<vmem>>, vector<16xf32>,
    %get3A_146 = arith.constant 0 : index
    %get3A_147 = tpu.vector_load %arg8[%get3A_146] {strides = array<i32>} : memref<80xf32, #tpu.memory_space<vmem>>, vector<16xf32>,
    %swap3A_148 = arith.constant 80 : index
    %swap3A_149 = tpu.vector_load %arg12[%swap3A_148] {strides = array<i32>} : memref<400xf32, #tpu.memory_space<vmem>>, vector<16xf32>,
    tpu.vector_store %arg12[%swap3A_148], %get3A_147 {strides = array<i32>} : memref<400xf32, #tpu.memory_space<vmem>>, vector<16xf32>,
    %get3A_150 = arith.constant 16 : index
    %get3A_151 = tpu.vector_load %arg8[%get3A_150] {strides = array<i32>} : memref<80xf32, #tpu.memory_space<vmem>>, vector<16xf32>,
    %swap3A_152 = arith.constant 96 : index
    %swap3A_153 = tpu.vector_load %arg12[%swap3A_152] {strides = array<i32>} : memref<400xf32, #tpu.memory_space<vmem>>, vector<16xf32>,
    tpu.vector_store %arg12[%swap3A_152], %get3A_151 {strides = array<i32>} : memref<400xf32, #tpu.memory_space<vmem>>, vector<16xf32>,
    %get3A_154 = arith.constant 32 : index
    %get3A_155 = tpu.vector_load %arg8[%get3A_154] {strides = array<i32>} : memref<80xf32, #tpu.memory_space<vmem>>, vector<16xf32>,
    %swap3A_156 = arith.constant 112 : index
    %swap3A_157 = tpu.vector_load %arg12[%swap3A_156] {strides = array<i32>} : memref<400xf32, #tpu.memory_space<vmem>>, vector<16xf32>,
    tpu.vector_store %arg12[%swap3A_156], %get3A_155 {strides = array<i32>} : memref<400xf32, #tpu.memory_space<vmem>>, vector<16xf32>,
    %get3A_158 = arith.constant 48 : index
    %get3A_159 = tpu.vector_load %arg8[%get3A_158] {strides = array<i32>} : memref<80xf32, #tpu.memory_space<vmem>>, vector<16xf32>,
    %swap3A_160 = arith.constant 128 : index
    %swap3A_161 = tpu.vector_load %arg12[%swap3A_160] {strides = array<i32>} : memref<400xf32, #tpu.memory_space<vmem>>, vector<16xf32>,
    tpu.vector_store %arg12[%swap3A_160], %get3A_159 {strides = array<i32>} : memref<400xf32, #tpu.memory_space<vmem>>, vector<16xf32>,
    %get3A_162 = arith.constant 64 : index
    %get3A_163 = tpu.vector_load %arg8[%get3A_162] {strides = array<i32>} : memref<80xf32, #tpu.memory_space<vmem>>, vector<16xf32>,
    %swap3A_164 = arith.constant 144 : index
    %swap3A_165 = tpu.vector_load %arg12[%swap3A_164] {strides = array<i32>} : memref<400xf32, #tpu.memory_space<vmem>>, vector<16xf32>,
    tpu.vector_store %arg12[%swap3A_164], %get3A_163 {strides = array<i32>} : memref<400xf32, #tpu.memory_space<vmem>>, vector<16xf32>,
    %get3A_166 = arith.constant 0 : index
    %get3A_167 = tpu.vector_load %arg9[%get3A_166] {strides = array<i32>} : memref<80xf32, #tpu.memory_space<vmem>>, vector<16xf32>,
    %swap3A_168 = arith.constant 160 : index
    %swap3A_169 = tpu.vector_load %arg12[%swap3A_168] {strides = array<i32>} : memref<400xf32, #tpu.memory_space<vmem>>, vector<16xf32>,
    tpu.vector_store %arg12[%swap3A_168], %get3A_167 {strides = array<i32>} : memref<400xf32, #tpu.memory_space<vmem>>, vector<16xf32>,
    %get3A_170 = arith.constant 16 : index
    %get3A_171 = tpu.vector_load %arg9[%get3A_170] {strides = array<i32>} : memref<80xf32, #tpu.memory_space<vmem>>, vector<16xf32>,
    %swap3A_172 = arith.constant 176 : index
    %swap3A_173 = tpu.vector_load %arg12[%swap3A_172] {strides = array<i32>} : memref<400xf32, #tpu.memory_space<vmem>>, vector<16xf32>,
    tpu.vector_store %arg12[%swap3A_172], %get3A_171 {strides = array<i32>} : memref<400xf32, #tpu.memory_space<vmem>>, vector<16xf32>,
    %get3A_174 = arith.constant 32 : index
    %get3A_175 = tpu.vector_load %arg9[%get3A_174] {strides = array<i32>} : memref<80xf32, #tpu.memory_space<vmem>>, vector<16xf32>,
    %swap3A_176 = arith.constant 192 : index
    %swap3A_177 = tpu.vector_load %arg12[%swap3A_176] {strides = array<i32>} : memref<400xf32, #tpu.memory_space<vmem>>, vector<16xf32>,
    tpu.vector_store %arg12[%swap3A_176], %get3A_175 {strides = array<i32>} : memref<400xf32, #tpu.memory_space<vmem>>, vector<16xf32>,
    %get3A_178 = arith.constant 48 : index
    %get3A_179 = tpu.vector_load %arg9[%get3A_178] {strides = array<i32>} : memref<80xf32, #tpu.memory_space<vmem>>, vector<16xf32>,
    %swap3A_180 = arith.constant 208 : index
    %swap3A_181 = tpu.vector_load %arg12[%swap3A_180] {strides = array<i32>} : memref<400xf32, #tpu.memory_space<vmem>>, vector<16xf32>,
    tpu.vector_store %arg12[%swap3A_180], %get3A_179 {strides = array<i32>} : memref<400xf32, #tpu.memory_space<vmem>>, vector<16xf32>,
    %get3A_182 = arith.constant 64 : index
    %get3A_183 = tpu.vector_load %arg9[%get3A_182] {strides = array<i32>} : memref<80xf32, #tpu.memory_space<vmem>>, vector<16xf32>,
    %swap3A_184 = arith.constant 224 : index
    %swap3A_185 = tpu.vector_load %arg12[%swap3A_184] {strides = array<i32>} : memref<400xf32, #tpu.memory_space<vmem>>, vector<16xf32>,
    tpu.vector_store %arg12[%swap3A_184], %get3A_183 {strides = array<i32>} : memref<400xf32, #tpu.memory_space<vmem>>, vector<16xf32>,
    %get3A_186 = arith.constant 0 : index
    %get3A_187 = tpu.vector_load %arg10[%get3A_186] {strides = array<i32>} : memref<80xf32, #tpu.memory_space<vmem>>, vector<16xf32>,
    %swap3A_188 = arith.constant 240 : index
    %swap3A_189 = tpu.vector_load %arg12[%swap3A_188] {strides = array<i32>} : memref<400xf32, #tpu.memory_space<vmem>>, vector<16xf32>,
    tpu.vector_store %arg12[%swap3A_188], %get3A_187 {strides = array<i32>} : memref<400xf32, #tpu.memory_space<vmem>>, vector<16xf32>,
    %get3A_190 = arith.constant 16 : index
    %get3A_191 = tpu.vector_load %arg10[%get3A_190] {strides = array<i32>} : memref<80xf32, #tpu.memory_space<vmem>>, vector<16xf32>,
    %swap3A_192 = arith.constant 256 : index
    %swap3A_193 = tpu.vector_load %arg12[%swap3A_192] {strides = array<i32>} : memref<400xf32, #tpu.memory_space<vmem>>, vector<16xf32>,
    tpu.vector_store %arg12[%swap3A_192], %get3A_191 {strides = array<i32>} : memref<400xf32, #tpu.memory_space<vmem>>, vector<16xf32>,
    %get3A_194 = arith.constant 32 : index
    %get3A_195 = tpu.vector_load %arg10[%get3A_194] {strides = array<i32>} : memref<80xf32, #tpu.memory_space<vmem>>, vector<16xf32>,
    %swap3A_196 = arith.constant 272 : index
    %swap3A_197 = tpu.vector_load %arg12[%swap3A_196] {strides = array<i32>} : memref<400xf32, #tpu.memory_space<vmem>>, vector<16xf32>,
    tpu.vector_store %arg12[%swap3A_196], %get3A_195 {strides = array<i32>} : memref<400xf32, #tpu.memory_space<vmem>>, vector<16xf32>,
    %get3A_198 = arith.constant 48 : index
    %get3A_199 = tpu.vector_load %arg10[%get3A_198] {strides = array<i32>} : memref<80xf32, #tpu.memory_space<vmem>>, vector<16xf32>,
    %swap3A_200 = arith.constant 288 : index
    %swap3A_201 = tpu.vector_load %arg12[%swap3A_200] {strides = array<i32>} : memref<400xf32, #tpu.memory_space<vmem>>, vector<16xf32>,
    tpu.vector_store %arg12[%swap3A_200], %get3A_199 {strides = array<i32>} : memref<400xf32, #tpu.memory_space<vmem>>, vector<16xf32>,
    %get3A_202 = arith.constant 64 : index
    %get3A_203 = tpu.vector_load %arg10[%get3A_202] {strides = array<i32>} : memref<80xf32, #tpu.memory_space<vmem>>, vector<16xf32>,
    %swap3A_204 = arith.constant 304 : index
    %swap3A_205 = tpu.vector_load %arg12[%swap3A_204] {strides = array<i32>} : memref<400xf32, #tpu.memory_space<vmem>>, vector<16xf32>,
    tpu.vector_store %arg12[%swap3A_204], %get3A_203 {strides = array<i32>} : memref<400xf32, #tpu.memory_space<vmem>>, vector<16xf32>,
    %get3A_206 = arith.constant 0 : index
    %get3A_207 = tpu.vector_load %arg11[%get3A_206] {strides = array<i32>} : memref<80xf32, #tpu.memory_space<vmem>>, vector<16xf32>,
    %swap3A_208 = arith.constant 320 : index
    %swap3A_209 = tpu.vector_load %arg12[%swap3A_208] {strides = array<i32>} : memref<400xf32, #tpu.memory_space<vmem>>, vector<16xf32>,
    tpu.vector_store %arg12[%swap3A_208], %get3A_207 {strides = array<i32>} : memref<400xf32, #tpu.memory_space<vmem>>, vector<16xf32>,
    %get3A_210 = arith.constant 16 : index
    %get3A_211 = tpu.vector_load %arg11[%get3A_210] {strides = array<i32>} : memref<80xf32, #tpu.memory_space<vmem>>, vector<16xf32>,
    %swap3A_212 = arith.constant 336 : index
    %swap3A_213 = tpu.vector_load %arg12[%swap3A_212] {strides = array<i32>} : memref<400xf32, #tpu.memory_space<vmem>>, vector<16xf32>,
    tpu.vector_store %arg12[%swap3A_212], %get3A_211 {strides = array<i32>} : memref<400xf32, #tpu.memory_space<vmem>>, vector<16xf32>,
    %get3A_214 = arith.constant 32 : index
    %get3A_215 = tpu.vector_load %arg11[%get3A_214] {strides = array<i32>} : memref<80xf32, #tpu.memory_space<vmem>>, vector<16xf32>,
    %swap3A_216 = arith.constant 352 : index
    %swap3A_217 = tpu.vector_load %arg12[%swap3A_216] {strides = array<i32>} : memref<400xf32, #tpu.memory_space<vmem>>, vector<16xf32>,
    tpu.vector_store %arg12[%swap3A_216], %get3A_215 {strides = array<i32>} : memref<400xf32, #tpu.memory_space<vmem>>, vector<16xf32>,
    %get3A_218 = arith.constant 48 : index
    %get3A_219 = tpu.vector_load %arg11[%get3A_218] {strides = array<i32>} : memref<80xf32, #tpu.memory_space<vmem>>, vector<16xf32>,
    %swap3A_220 = arith.constant 368 : index
    %swap3A_221 = tpu.vector_load %arg12[%swap3A_220] {strides = array<i32>} : memref<400xf32, #tpu.memory_space<vmem>>, vector<16xf32>,
    tpu.vector_store %arg12[%swap3A_220], %get3A_219 {strides = array<i32>} : memref<400xf32, #tpu.memory_space<vmem>>, vector<16xf32>,
    %get3A_222 = arith.constant 64 : index
    %get3A_223 = tpu.vector_load %arg11[%get3A_222] {strides = array<i32>} : memref<80xf32, #tpu.memory_space<vmem>>, vector<16xf32>,
    %swap3A_224 = arith.constant 384 : index
    %swap3A_225 = tpu.vector_load %arg12[%swap3A_224] {strides = array<i32>} : memref<400xf32, #tpu.memory_space<vmem>>, vector<16xf32>,
    tpu.vector_store %arg12[%swap3A_224], %get3A_223 {strides = array<i32>} : memref<400xf32, #tpu.memory_space<vmem>>, vector<16xf32>,
    "tpu.region"() ({
      %run_scoped3A = tpu.sem_alloc : memref<!tpu.dma_semaphore, #tpu.memory_space<semaphore_mem>>
      %dma_start3A_226 = arith.constant 0 : i32
      %dma_start3A_227 = tpu.memref_slice %arg4[%add3A_126, %dma_start3A_226] : memref<32x400xf32, #tpu.memory_space<hbm>> -> memref<1x400xf32, #tpu.memory_space<hbm>>
      %dma_start3A_228 = tpu.memref_squeeze %dma_start3A_227 : memref<1x400xf32, #tpu.memory_space<hbm>> -> memref<400xf32, #tpu.memory_space<hbm>>
      %dma_start3A_229 = arith.constant 0 : i32
      %dma_start3A_230 = tpu.memref_slice %arg4[%add3A_126, %dma_start3A_229] : memref<32x400xf32, #tpu.memory_space<hbm>> -> memref<1x400xf32, #tpu.memory_space<hbm>>
      %dma_start3A_231 = tpu.memref_squeeze %dma_start3A_230 : memref<1x400xf32, #tpu.memory_space<hbm>> -> memref<400xf32, #tpu.memory_space<hbm>>
      tpu.enqueue_dma source(%arg12 : memref<400xf32, #tpu.memory_space<vmem>>) target(%dma_start3A_231 : memref<400xf32, #tpu.memory_space<hbm>>) target_semaphore(%run_scoped3A : memref<!tpu.dma_semaphore, #tpu.memory_space<semaphore_mem>>)
      %dma_wait3A_232 = arith.constant 0 : i32
      %dma_wait3A_233 = tpu.memref_slice %arg4[%add3A_126, %dma_wait3A_232] : memref<32x400xf32, #tpu.memory_space<hbm>> -> memref<1x400xf32, #tpu.memory_space<hbm>>
      %dma_wait3A_234 = tpu.memref_squeeze %dma_wait3A_233 : memref<1x400xf32, #tpu.memory_space<hbm>> -> memref<400xf32, #tpu.memory_space<hbm>>
      %dma_wait3A_235 = arith.constant 0 : i32
      %dma_wait3A_236 = tpu.memref_slice %arg4[%add3A_126, %dma_wait3A_235] : memref<32x400xf32, #tpu.memory_space<hbm>> -> memref<1x400xf32, #tpu.memory_space<hbm>>
      %dma_wait3A_237 = tpu.memref_squeeze %dma_wait3A_236 : memref<1x400xf32, #tpu.memory_space<hbm>> -> memref<400xf32, #tpu.memory_space<hbm>>
      tpu.wait_dma2 semaphore(%run_scoped3A : memref<!tpu.dma_semaphore, #tpu.memory_space<semaphore_mem>>) src(%arg12 : memref<400xf32, #tpu.memory_space<vmem>>) dst(%dma_wait3A_237 : memref<400xf32, #tpu.memory_space<hbm>>)
      tpu.yield
    }) : () -> ()
    return
  }
}

module attributes {stable_mosaic.version = 14 : i64} {
  func.func @_epilogue(%arg0: memref<32x400xf32, #tpu.memory_space<vmem>>, %arg1: memref<2x5x5xf32, #tpu.memory_space<smem>>, %arg2: memref<1x1xf32, #tpu.memory_space<smem>>) attributes {dimension_semantics = [], scalar_prefetch = 0 : i64, scratch_operands = 0 : i64, tpu.core_type = #tpu.core_type<tc>} {
    %get3A = arith.constant 0 : index
    %get3A_0 = arith.constant 0 : index
    %get3A_1 = vector.load %arg0[%get3A, %get3A_0] : memref<32x400xf32, #tpu.memory_space<vmem>>, vector<32x400xf32>
    %slice3A = vector.extract_strided_slice %get3A_1 {offsets = [0, 0], sizes = [16, 400], strides = [1, 1]} : vector<32x400xf32> to vector<16x400xf32>
    %reduce_sum3A = arith.constant dense<0.000000e+00> : vector<400xf32>
    %reduce_sum3A_2 = vector.multi_reduction <add>, %slice3A, %reduce_sum3A [0] : vector<16x400xf32> to vector<400xf32>
    %slice3A_3 = vector.extract_strided_slice %reduce_sum3A_2 {offsets = [16], sizes = [16], strides = [1]} : vector<400xf32> to vector<16xf32>
    %reduce_sum3A_4 = vector.shape_cast %slice3A_3 : vector<16xf32> to vector<1x16xf32>
    %reduce_sum3A_5 = arith.constant dense<0.000000e+00> : vector<1xf32>
    %reduce_sum3A_6 = vector.multi_reduction <add>, %reduce_sum3A_4, %reduce_sum3A_5 [1] : vector<1x16xf32> to vector<1xf32>
    %reduce_sum3A_7 = vector.shape_cast %reduce_sum3A_6 : vector<1xf32> to vector<1x1xf32>
    %reduce_sum3A_8 = vector.extract %reduce_sum3A_7[0, 0] : f32 from vector<1x1xf32>
    %get3A_9 = arith.constant 0 : index
    %get3A_10 = arith.constant 0 : index
    %get3A_11 = arith.constant 1 : index
    %get3A_12 = memref.load %arg1[%get3A_9, %get3A_10, %get3A_11] : memref<2x5x5xf32, #tpu.memory_space<smem>>
    %add3A = arith.addf %reduce_sum3A_8, %get3A_12 : f32
    %slice3A_13 = vector.extract_strided_slice %reduce_sum3A_2 {offsets = [32], sizes = [16], strides = [1]} : vector<400xf32> to vector<16xf32>
    %reduce_sum3A_14 = vector.shape_cast %slice3A_13 : vector<16xf32> to vector<1x16xf32>
    %reduce_sum3A_15 = arith.constant dense<0.000000e+00> : vector<1xf32>
    %reduce_sum3A_16 = vector.multi_reduction <add>, %reduce_sum3A_14, %reduce_sum3A_15 [1] : vector<1x16xf32> to vector<1xf32>
    %reduce_sum3A_17 = vector.shape_cast %reduce_sum3A_16 : vector<1xf32> to vector<1x1xf32>
    %reduce_sum3A_18 = vector.extract %reduce_sum3A_17[0, 0] : f32 from vector<1x1xf32>
    %get3A_19 = arith.constant 0 : index
    %get3A_20 = arith.constant 0 : index
    %get3A_21 = arith.constant 2 : index
    %get3A_22 = memref.load %arg1[%get3A_19, %get3A_20, %get3A_21] : memref<2x5x5xf32, #tpu.memory_space<smem>>
    %add3A_23 = arith.addf %reduce_sum3A_18, %get3A_22 : f32
    %slice3A_24 = vector.extract_strided_slice %reduce_sum3A_2 {offsets = [48], sizes = [16], strides = [1]} : vector<400xf32> to vector<16xf32>
    %reduce_sum3A_25 = vector.shape_cast %slice3A_24 : vector<16xf32> to vector<1x16xf32>
    %reduce_sum3A_26 = arith.constant dense<0.000000e+00> : vector<1xf32>
    %reduce_sum3A_27 = vector.multi_reduction <add>, %reduce_sum3A_25, %reduce_sum3A_26 [1] : vector<1x16xf32> to vector<1xf32>
    %reduce_sum3A_28 = vector.shape_cast %reduce_sum3A_27 : vector<1xf32> to vector<1x1xf32>
    %reduce_sum3A_29 = vector.extract %reduce_sum3A_28[0, 0] : f32 from vector<1x1xf32>
    %get3A_30 = arith.constant 0 : index
    %get3A_31 = arith.constant 0 : index
    %get3A_32 = arith.constant 3 : index
    %get3A_33 = memref.load %arg1[%get3A_30, %get3A_31, %get3A_32] : memref<2x5x5xf32, #tpu.memory_space<smem>>
    %add3A_34 = arith.addf %reduce_sum3A_29, %get3A_33 : f32
    %slice3A_35 = vector.extract_strided_slice %reduce_sum3A_2 {offsets = [64], sizes = [16], strides = [1]} : vector<400xf32> to vector<16xf32>
    %reduce_sum3A_36 = vector.shape_cast %slice3A_35 : vector<16xf32> to vector<1x16xf32>
    %reduce_sum3A_37 = arith.constant dense<0.000000e+00> : vector<1xf32>
    %reduce_sum3A_38 = vector.multi_reduction <add>, %reduce_sum3A_36, %reduce_sum3A_37 [1] : vector<1x16xf32> to vector<1xf32>
    %reduce_sum3A_39 = vector.shape_cast %reduce_sum3A_38 : vector<1xf32> to vector<1x1xf32>
    %reduce_sum3A_40 = vector.extract %reduce_sum3A_39[0, 0] : f32 from vector<1x1xf32>
    %get3A_41 = arith.constant 0 : index
    %get3A_42 = arith.constant 0 : index
    %get3A_43 = arith.constant 4 : index
    %get3A_44 = memref.load %arg1[%get3A_41, %get3A_42, %get3A_43] : memref<2x5x5xf32, #tpu.memory_space<smem>>
    %add3A_45 = arith.addf %reduce_sum3A_40, %get3A_44 : f32
    %gt3A = arith.constant 0.000000e+00 : f32
    %gt3A_46 = arith.cmpf ogt, %add3A, %gt3A : f32
    %jit3A = arith.constant 1.000000e+00 : f32
    %jit3A_47 = arith.constant 0.000000e+00 : f32
    %select_n3A = arith.select %gt3A_46, %jit3A, %jit3A_47 : f32
    %gt3A_48 = arith.constant 0.000000e+00 : f32
    %gt3A_49 = arith.cmpf ogt, %add3A_23, %gt3A_48 : f32
    %jit3A_50 = arith.constant 2.000000e+00 : f32
    %select_n3A_51 = arith.select %gt3A_49, %jit3A_50, %select_n3A : f32
    %gt3A_52 = arith.constant 0.000000e+00 : f32
    %gt3A_53 = arith.cmpf ogt, %add3A_34, %gt3A_52 : f32
    %jit3A_54 = arith.constant 3.000000e+00 : f32
    %select_n3A_55 = arith.select %gt3A_53, %jit3A_54, %select_n3A_51 : f32
    %gt3A_56 = arith.constant 0.000000e+00 : f32
    %gt3A_57 = arith.cmpf ogt, %add3A_45, %gt3A_56 : f32
    %jit3A_58 = arith.constant 4.000000e+00 : f32
    %select_n3A_59 = arith.select %gt3A_57, %jit3A_58, %select_n3A_55 : f32
    %slice3A_60 = vector.extract_strided_slice %reduce_sum3A_2 {offsets = [96], sizes = [16], strides = [1]} : vector<400xf32> to vector<16xf32>
    %reduce_sum3A_61 = vector.shape_cast %slice3A_60 : vector<16xf32> to vector<1x16xf32>
    %reduce_sum3A_62 = arith.constant dense<0.000000e+00> : vector<1xf32>
    %reduce_sum3A_63 = vector.multi_reduction <add>, %reduce_sum3A_61, %reduce_sum3A_62 [1] : vector<1x16xf32> to vector<1xf32>
    %reduce_sum3A_64 = vector.shape_cast %reduce_sum3A_63 : vector<1xf32> to vector<1x1xf32>
    %reduce_sum3A_65 = vector.extract %reduce_sum3A_64[0, 0] : f32 from vector<1x1xf32>
    %get3A_66 = arith.constant 0 : index
    %get3A_67 = arith.constant 1 : index
    %get3A_68 = arith.constant 1 : index
    %get3A_69 = memref.load %arg1[%get3A_66, %get3A_67, %get3A_68] : memref<2x5x5xf32, #tpu.memory_space<smem>>
    %add3A_70 = arith.addf %reduce_sum3A_65, %get3A_69 : f32
    %mul3A = arith.mulf %add3A_70, %add3A_70 : f32
    %add3A_71 = arith.constant 0.000000e+00 : f32
    %add3A_72 = arith.addf %add3A_71, %mul3A : f32
    %slice3A_73 = vector.extract_strided_slice %reduce_sum3A_2 {offsets = [176], sizes = [16], strides = [1]} : vector<400xf32> to vector<16xf32>
    %reduce_sum3A_74 = vector.shape_cast %slice3A_73 : vector<16xf32> to vector<1x16xf32>
    %reduce_sum3A_75 = arith.constant dense<0.000000e+00> : vector<1xf32>
    %reduce_sum3A_76 = vector.multi_reduction <add>, %reduce_sum3A_74, %reduce_sum3A_75 [1] : vector<1x16xf32> to vector<1xf32>
    %reduce_sum3A_77 = vector.shape_cast %reduce_sum3A_76 : vector<1xf32> to vector<1x1xf32>
    %reduce_sum3A_78 = vector.extract %reduce_sum3A_77[0, 0] : f32 from vector<1x1xf32>
    %get3A_79 = arith.constant 0 : index
    %get3A_80 = arith.constant 2 : index
    %get3A_81 = arith.constant 1 : index
    %get3A_82 = memref.load %arg1[%get3A_79, %get3A_80, %get3A_81] : memref<2x5x5xf32, #tpu.memory_space<smem>>
    %add3A_83 = arith.addf %reduce_sum3A_78, %get3A_82 : f32
    %mul3A_84 = arith.mulf %add3A_83, %add3A_83 : f32
    %add3A_85 = arith.addf %add3A_72, %mul3A_84 : f32
    %slice3A_86 = vector.extract_strided_slice %reduce_sum3A_2 {offsets = [256], sizes = [16], strides = [1]} : vector<400xf32> to vector<16xf32>
    %reduce_sum3A_87 = vector.shape_cast %slice3A_86 : vector<16xf32> to vector<1x16xf32>
    %reduce_sum3A_88 = arith.constant dense<0.000000e+00> : vector<1xf32>
    %reduce_sum3A_89 = vector.multi_reduction <add>, %reduce_sum3A_87, %reduce_sum3A_88 [1] : vector<1x16xf32> to vector<1xf32>
    %reduce_sum3A_90 = vector.shape_cast %reduce_sum3A_89 : vector<1xf32> to vector<1x1xf32>
    %reduce_sum3A_91 = vector.extract %reduce_sum3A_90[0, 0] : f32 from vector<1x1xf32>
    %get3A_92 = arith.constant 0 : index
    %get3A_93 = arith.constant 3 : index
    %get3A_94 = arith.constant 1 : index
    %get3A_95 = memref.load %arg1[%get3A_92, %get3A_93, %get3A_94] : memref<2x5x5xf32, #tpu.memory_space<smem>>
    %add3A_96 = arith.addf %reduce_sum3A_91, %get3A_95 : f32
    %mul3A_97 = arith.mulf %add3A_96, %add3A_96 : f32
    %add3A_98 = arith.addf %add3A_85, %mul3A_97 : f32
    %slice3A_99 = vector.extract_strided_slice %reduce_sum3A_2 {offsets = [336], sizes = [16], strides = [1]} : vector<400xf32> to vector<16xf32>
    %reduce_sum3A_100 = vector.shape_cast %slice3A_99 : vector<16xf32> to vector<1x16xf32>
    %reduce_sum3A_101 = arith.constant dense<0.000000e+00> : vector<1xf32>
    %reduce_sum3A_102 = vector.multi_reduction <add>, %reduce_sum3A_100, %reduce_sum3A_101 [1] : vector<1x16xf32> to vector<1xf32>
    %reduce_sum3A_103 = vector.shape_cast %reduce_sum3A_102 : vector<1xf32> to vector<1x1xf32>
    %reduce_sum3A_104 = vector.extract %reduce_sum3A_103[0, 0] : f32 from vector<1x1xf32>
    %get3A_105 = arith.constant 0 : index
    %get3A_106 = arith.constant 4 : index
    %get3A_107 = arith.constant 1 : index
    %get3A_108 = memref.load %arg1[%get3A_105, %get3A_106, %get3A_107] : memref<2x5x5xf32, #tpu.memory_space<smem>>
    %add3A_109 = arith.addf %reduce_sum3A_104, %get3A_108 : f32
    %mul3A_110 = arith.mulf %add3A_109, %add3A_109 : f32
    %add3A_111 = arith.addf %add3A_98, %mul3A_110 : f32
    %sqrt3A = math.sqrt %add3A_111 : f32
    %sub3A = arith.constant 3.000000e+00 : f32
    %sub3A_112 = arith.subf %sub3A, %sqrt3A : f32
    %max3A = arith.constant 0.000000e+00 : f32
    %max3A_113 = arith.maximumf %sub3A_112, %max3A : f32
    %integer_pow3A = arith.mulf %max3A_113, %max3A_113 : f32
    %add3A_114 = arith.constant 1.000000e+00 : f32
    %add3A_115 = arith.addf %integer_pow3A, %add3A_114 : f32
    %log3A = math.log %add3A_115 : f32
    %le3A = arith.constant 1.000000e+00 : f32
    %le3A_116 = arith.cmpf ole, %le3A, %select_n3A_59 : f32
    %convert_element_type3A = arith.extui %le3A_116 : i1 to i32
    %convert_element_type3A_117 = arith.sitofp %convert_element_type3A : i32 to f32
    %mul3A_118 = arith.mulf %convert_element_type3A_117, %add3A : f32
    %sub3A_119 = arith.constant 2.30258512 : f32
    %sub3A_120 = arith.subf %log3A, %sub3A_119 : f32
    %mul3A_121 = arith.mulf %mul3A_118, %sub3A_120 : f32
    %add3A_122 = arith.constant 0.000000e+00 : f32
    %add3A_123 = arith.addf %add3A_122, %mul3A_121 : f32
    %slice3A_124 = vector.extract_strided_slice %reduce_sum3A_2 {offsets = [112], sizes = [16], strides = [1]} : vector<400xf32> to vector<16xf32>
    %reduce_sum3A_125 = vector.shape_cast %slice3A_124 : vector<16xf32> to vector<1x16xf32>
    %reduce_sum3A_126 = arith.constant dense<0.000000e+00> : vector<1xf32>
    %reduce_sum3A_127 = vector.multi_reduction <add>, %reduce_sum3A_125, %reduce_sum3A_126 [1] : vector<1x16xf32> to vector<1xf32>
    %reduce_sum3A_128 = vector.shape_cast %reduce_sum3A_127 : vector<1xf32> to vector<1x1xf32>
    %reduce_sum3A_129 = vector.extract %reduce_sum3A_128[0, 0] : f32 from vector<1x1xf32>
    %get3A_130 = arith.constant 0 : index
    %get3A_131 = arith.constant 1 : index
    %get3A_132 = arith.constant 2 : index
    %get3A_133 = memref.load %arg1[%get3A_130, %get3A_131, %get3A_132] : memref<2x5x5xf32, #tpu.memory_space<smem>>
    %add3A_134 = arith.addf %reduce_sum3A_129, %get3A_133 : f32
    %mul3A_135 = arith.mulf %add3A_134, %add3A_134 : f32
    %add3A_136 = arith.constant 0.000000e+00 : f32
    %add3A_137 = arith.addf %add3A_136, %mul3A_135 : f32
    %slice3A_138 = vector.extract_strided_slice %reduce_sum3A_2 {offsets = [192], sizes = [16], strides = [1]} : vector<400xf32> to vector<16xf32>
    %reduce_sum3A_139 = vector.shape_cast %slice3A_138 : vector<16xf32> to vector<1x16xf32>
    %reduce_sum3A_140 = arith.constant dense<0.000000e+00> : vector<1xf32>
    %reduce_sum3A_141 = vector.multi_reduction <add>, %reduce_sum3A_139, %reduce_sum3A_140 [1] : vector<1x16xf32> to vector<1xf32>
    %reduce_sum3A_142 = vector.shape_cast %reduce_sum3A_141 : vector<1xf32> to vector<1x1xf32>
    %reduce_sum3A_143 = vector.extract %reduce_sum3A_142[0, 0] : f32 from vector<1x1xf32>
    %get3A_144 = arith.constant 0 : index
    %get3A_145 = arith.constant 2 : index
    %get3A_146 = arith.constant 2 : index
    %get3A_147 = memref.load %arg1[%get3A_144, %get3A_145, %get3A_146] : memref<2x5x5xf32, #tpu.memory_space<smem>>
    %add3A_148 = arith.addf %reduce_sum3A_143, %get3A_147 : f32
    %mul3A_149 = arith.mulf %add3A_148, %add3A_148 : f32
    %add3A_150 = arith.addf %add3A_137, %mul3A_149 : f32
    %slice3A_151 = vector.extract_strided_slice %reduce_sum3A_2 {offsets = [272], sizes = [16], strides = [1]} : vector<400xf32> to vector<16xf32>
    %reduce_sum3A_152 = vector.shape_cast %slice3A_151 : vector<16xf32> to vector<1x16xf32>
    %reduce_sum3A_153 = arith.constant dense<0.000000e+00> : vector<1xf32>
    %reduce_sum3A_154 = vector.multi_reduction <add>, %reduce_sum3A_152, %reduce_sum3A_153 [1] : vector<1x16xf32> to vector<1xf32>
    %reduce_sum3A_155 = vector.shape_cast %reduce_sum3A_154 : vector<1xf32> to vector<1x1xf32>
    %reduce_sum3A_156 = vector.extract %reduce_sum3A_155[0, 0] : f32 from vector<1x1xf32>
    %get3A_157 = arith.constant 0 : index
    %get3A_158 = arith.constant 3 : index
    %get3A_159 = arith.constant 2 : index
    %get3A_160 = memref.load %arg1[%get3A_157, %get3A_158, %get3A_159] : memref<2x5x5xf32, #tpu.memory_space<smem>>
    %add3A_161 = arith.addf %reduce_sum3A_156, %get3A_160 : f32
    %mul3A_162 = arith.mulf %add3A_161, %add3A_161 : f32
    %add3A_163 = arith.addf %add3A_150, %mul3A_162 : f32
    %slice3A_164 = vector.extract_strided_slice %reduce_sum3A_2 {offsets = [352], sizes = [16], strides = [1]} : vector<400xf32> to vector<16xf32>
    %reduce_sum3A_165 = vector.shape_cast %slice3A_164 : vector<16xf32> to vector<1x16xf32>
    %reduce_sum3A_166 = arith.constant dense<0.000000e+00> : vector<1xf32>
    %reduce_sum3A_167 = vector.multi_reduction <add>, %reduce_sum3A_165, %reduce_sum3A_166 [1] : vector<1x16xf32> to vector<1xf32>
    %reduce_sum3A_168 = vector.shape_cast %reduce_sum3A_167 : vector<1xf32> to vector<1x1xf32>
    %reduce_sum3A_169 = vector.extract %reduce_sum3A_168[0, 0] : f32 from vector<1x1xf32>
    %get3A_170 = arith.constant 0 : index
    %get3A_171 = arith.constant 4 : index
    %get3A_172 = arith.constant 2 : index
    %get3A_173 = memref.load %arg1[%get3A_170, %get3A_171, %get3A_172] : memref<2x5x5xf32, #tpu.memory_space<smem>>
    %add3A_174 = arith.addf %reduce_sum3A_169, %get3A_173 : f32
    %mul3A_175 = arith.mulf %add3A_174, %add3A_174 : f32
    %add3A_176 = arith.addf %add3A_163, %mul3A_175 : f32
    %sqrt3A_177 = math.sqrt %add3A_176 : f32
    %sub3A_178 = arith.constant 3.000000e+00 : f32
    %sub3A_179 = arith.subf %sub3A_178, %sqrt3A_177 : f32
    %max3A_180 = arith.constant 0.000000e+00 : f32
    %max3A_181 = arith.maximumf %sub3A_179, %max3A_180 : f32
    %integer_pow3A_182 = arith.mulf %max3A_181, %max3A_181 : f32
    %add3A_183 = arith.constant 1.000000e+00 : f32
    %add3A_184 = arith.addf %integer_pow3A_182, %add3A_183 : f32
    %log3A_185 = math.log %add3A_184 : f32
    %le3A_186 = arith.constant 2.000000e+00 : f32
    %le3A_187 = arith.cmpf ole, %le3A_186, %select_n3A_59 : f32
    %convert_element_type3A_188 = arith.extui %le3A_187 : i1 to i32
    %convert_element_type3A_189 = arith.sitofp %convert_element_type3A_188 : i32 to f32
    %mul3A_190 = arith.mulf %convert_element_type3A_189, %add3A_23 : f32
    %sub3A_191 = arith.constant 2.30258512 : f32
    %sub3A_192 = arith.subf %log3A_185, %sub3A_191 : f32
    %mul3A_193 = arith.mulf %mul3A_190, %sub3A_192 : f32
    %add3A_194 = arith.addf %add3A_123, %mul3A_193 : f32
    %slice3A_195 = vector.extract_strided_slice %reduce_sum3A_2 {offsets = [128], sizes = [16], strides = [1]} : vector<400xf32> to vector<16xf32>
    %reduce_sum3A_196 = vector.shape_cast %slice3A_195 : vector<16xf32> to vector<1x16xf32>
    %reduce_sum3A_197 = arith.constant dense<0.000000e+00> : vector<1xf32>
    %reduce_sum3A_198 = vector.multi_reduction <add>, %reduce_sum3A_196, %reduce_sum3A_197 [1] : vector<1x16xf32> to vector<1xf32>
    %reduce_sum3A_199 = vector.shape_cast %reduce_sum3A_198 : vector<1xf32> to vector<1x1xf32>
    %reduce_sum3A_200 = vector.extract %reduce_sum3A_199[0, 0] : f32 from vector<1x1xf32>
    %get3A_201 = arith.constant 0 : index
    %get3A_202 = arith.constant 1 : index
    %get3A_203 = arith.constant 3 : index
    %get3A_204 = memref.load %arg1[%get3A_201, %get3A_202, %get3A_203] : memref<2x5x5xf32, #tpu.memory_space<smem>>
    %add3A_205 = arith.addf %reduce_sum3A_200, %get3A_204 : f32
    %mul3A_206 = arith.mulf %add3A_205, %add3A_205 : f32
    %add3A_207 = arith.constant 0.000000e+00 : f32
    %add3A_208 = arith.addf %add3A_207, %mul3A_206 : f32
    %slice3A_209 = vector.extract_strided_slice %reduce_sum3A_2 {offsets = [208], sizes = [16], strides = [1]} : vector<400xf32> to vector<16xf32>
    %reduce_sum3A_210 = vector.shape_cast %slice3A_209 : vector<16xf32> to vector<1x16xf32>
    %reduce_sum3A_211 = arith.constant dense<0.000000e+00> : vector<1xf32>
    %reduce_sum3A_212 = vector.multi_reduction <add>, %reduce_sum3A_210, %reduce_sum3A_211 [1] : vector<1x16xf32> to vector<1xf32>
    %reduce_sum3A_213 = vector.shape_cast %reduce_sum3A_212 : vector<1xf32> to vector<1x1xf32>
    %reduce_sum3A_214 = vector.extract %reduce_sum3A_213[0, 0] : f32 from vector<1x1xf32>
    %get3A_215 = arith.constant 0 : index
    %get3A_216 = arith.constant 2 : index
    %get3A_217 = arith.constant 3 : index
    %get3A_218 = memref.load %arg1[%get3A_215, %get3A_216, %get3A_217] : memref<2x5x5xf32, #tpu.memory_space<smem>>
    %add3A_219 = arith.addf %reduce_sum3A_214, %get3A_218 : f32
    %mul3A_220 = arith.mulf %add3A_219, %add3A_219 : f32
    %add3A_221 = arith.addf %add3A_208, %mul3A_220 : f32
    %slice3A_222 = vector.extract_strided_slice %reduce_sum3A_2 {offsets = [288], sizes = [16], strides = [1]} : vector<400xf32> to vector<16xf32>
    %reduce_sum3A_223 = vector.shape_cast %slice3A_222 : vector<16xf32> to vector<1x16xf32>
    %reduce_sum3A_224 = arith.constant dense<0.000000e+00> : vector<1xf32>
    %reduce_sum3A_225 = vector.multi_reduction <add>, %reduce_sum3A_223, %reduce_sum3A_224 [1] : vector<1x16xf32> to vector<1xf32>
    %reduce_sum3A_226 = vector.shape_cast %reduce_sum3A_225 : vector<1xf32> to vector<1x1xf32>
    %reduce_sum3A_227 = vector.extract %reduce_sum3A_226[0, 0] : f32 from vector<1x1xf32>
    %get3A_228 = arith.constant 0 : index
    %get3A_229 = arith.constant 3 : index
    %get3A_230 = arith.constant 3 : index
    %get3A_231 = memref.load %arg1[%get3A_228, %get3A_229, %get3A_230] : memref<2x5x5xf32, #tpu.memory_space<smem>>
    %add3A_232 = arith.addf %reduce_sum3A_227, %get3A_231 : f32
    %mul3A_233 = arith.mulf %add3A_232, %add3A_232 : f32
    %add3A_234 = arith.addf %add3A_221, %mul3A_233 : f32
    %slice3A_235 = vector.extract_strided_slice %reduce_sum3A_2 {offsets = [368], sizes = [16], strides = [1]} : vector<400xf32> to vector<16xf32>
    %reduce_sum3A_236 = vector.shape_cast %slice3A_235 : vector<16xf32> to vector<1x16xf32>
    %reduce_sum3A_237 = arith.constant dense<0.000000e+00> : vector<1xf32>
    %reduce_sum3A_238 = vector.multi_reduction <add>, %reduce_sum3A_236, %reduce_sum3A_237 [1] : vector<1x16xf32> to vector<1xf32>
    %reduce_sum3A_239 = vector.shape_cast %reduce_sum3A_238 : vector<1xf32> to vector<1x1xf32>
    %reduce_sum3A_240 = vector.extract %reduce_sum3A_239[0, 0] : f32 from vector<1x1xf32>
    %get3A_241 = arith.constant 0 : index
    %get3A_242 = arith.constant 4 : index
    %get3A_243 = arith.constant 3 : index
    %get3A_244 = memref.load %arg1[%get3A_241, %get3A_242, %get3A_243] : memref<2x5x5xf32, #tpu.memory_space<smem>>
    %add3A_245 = arith.addf %reduce_sum3A_240, %get3A_244 : f32
    %mul3A_246 = arith.mulf %add3A_245, %add3A_245 : f32
    %add3A_247 = arith.addf %add3A_234, %mul3A_246 : f32
    %sqrt3A_248 = math.sqrt %add3A_247 : f32
    %sub3A_249 = arith.constant 3.000000e+00 : f32
    %sub3A_250 = arith.subf %sub3A_249, %sqrt3A_248 : f32
    %max3A_251 = arith.constant 0.000000e+00 : f32
    %max3A_252 = arith.maximumf %sub3A_250, %max3A_251 : f32
    %integer_pow3A_253 = arith.mulf %max3A_252, %max3A_252 : f32
    %add3A_254 = arith.constant 1.000000e+00 : f32
    %add3A_255 = arith.addf %integer_pow3A_253, %add3A_254 : f32
    %log3A_256 = math.log %add3A_255 : f32
    %le3A_257 = arith.constant 3.000000e+00 : f32
    %le3A_258 = arith.cmpf ole, %le3A_257, %select_n3A_59 : f32
    %convert_element_type3A_259 = arith.extui %le3A_258 : i1 to i32
    %convert_element_type3A_260 = arith.sitofp %convert_element_type3A_259 : i32 to f32
    %mul3A_261 = arith.mulf %convert_element_type3A_260, %add3A_34 : f32
    %sub3A_262 = arith.constant 2.30258512 : f32
    %sub3A_263 = arith.subf %log3A_256, %sub3A_262 : f32
    %mul3A_264 = arith.mulf %mul3A_261, %sub3A_263 : f32
    %add3A_265 = arith.addf %add3A_194, %mul3A_264 : f32
    %slice3A_266 = vector.extract_strided_slice %reduce_sum3A_2 {offsets = [144], sizes = [16], strides = [1]} : vector<400xf32> to vector<16xf32>
    %reduce_sum3A_267 = vector.shape_cast %slice3A_266 : vector<16xf32> to vector<1x16xf32>
    %reduce_sum3A_268 = arith.constant dense<0.000000e+00> : vector<1xf32>
    %reduce_sum3A_269 = vector.multi_reduction <add>, %reduce_sum3A_267, %reduce_sum3A_268 [1] : vector<1x16xf32> to vector<1xf32>
    %reduce_sum3A_270 = vector.shape_cast %reduce_sum3A_269 : vector<1xf32> to vector<1x1xf32>
    %reduce_sum3A_271 = vector.extract %reduce_sum3A_270[0, 0] : f32 from vector<1x1xf32>
    %get3A_272 = arith.constant 0 : index
    %get3A_273 = arith.constant 1 : index
    %get3A_274 = arith.constant 4 : index
    %get3A_275 = memref.load %arg1[%get3A_272, %get3A_273, %get3A_274] : memref<2x5x5xf32, #tpu.memory_space<smem>>
    %add3A_276 = arith.addf %reduce_sum3A_271, %get3A_275 : f32
    %mul3A_277 = arith.mulf %add3A_276, %add3A_276 : f32
    %add3A_278 = arith.constant 0.000000e+00 : f32
    %add3A_279 = arith.addf %add3A_278, %mul3A_277 : f32
    %slice3A_280 = vector.extract_strided_slice %reduce_sum3A_2 {offsets = [224], sizes = [16], strides = [1]} : vector<400xf32> to vector<16xf32>
    %reduce_sum3A_281 = vector.shape_cast %slice3A_280 : vector<16xf32> to vector<1x16xf32>
    %reduce_sum3A_282 = arith.constant dense<0.000000e+00> : vector<1xf32>
    %reduce_sum3A_283 = vector.multi_reduction <add>, %reduce_sum3A_281, %reduce_sum3A_282 [1] : vector<1x16xf32> to vector<1xf32>
    %reduce_sum3A_284 = vector.shape_cast %reduce_sum3A_283 : vector<1xf32> to vector<1x1xf32>
    %reduce_sum3A_285 = vector.extract %reduce_sum3A_284[0, 0] : f32 from vector<1x1xf32>
    %get3A_286 = arith.constant 0 : index
    %get3A_287 = arith.constant 2 : index
    %get3A_288 = arith.constant 4 : index
    %get3A_289 = memref.load %arg1[%get3A_286, %get3A_287, %get3A_288] : memref<2x5x5xf32, #tpu.memory_space<smem>>
    %add3A_290 = arith.addf %reduce_sum3A_285, %get3A_289 : f32
    %mul3A_291 = arith.mulf %add3A_290, %add3A_290 : f32
    %add3A_292 = arith.addf %add3A_279, %mul3A_291 : f32
    %slice3A_293 = vector.extract_strided_slice %reduce_sum3A_2 {offsets = [304], sizes = [16], strides = [1]} : vector<400xf32> to vector<16xf32>
    %reduce_sum3A_294 = vector.shape_cast %slice3A_293 : vector<16xf32> to vector<1x16xf32>
    %reduce_sum3A_295 = arith.constant dense<0.000000e+00> : vector<1xf32>
    %reduce_sum3A_296 = vector.multi_reduction <add>, %reduce_sum3A_294, %reduce_sum3A_295 [1] : vector<1x16xf32> to vector<1xf32>
    %reduce_sum3A_297 = vector.shape_cast %reduce_sum3A_296 : vector<1xf32> to vector<1x1xf32>
    %reduce_sum3A_298 = vector.extract %reduce_sum3A_297[0, 0] : f32 from vector<1x1xf32>
    %get3A_299 = arith.constant 0 : index
    %get3A_300 = arith.constant 3 : index
    %get3A_301 = arith.constant 4 : index
    %get3A_302 = memref.load %arg1[%get3A_299, %get3A_300, %get3A_301] : memref<2x5x5xf32, #tpu.memory_space<smem>>
    %add3A_303 = arith.addf %reduce_sum3A_298, %get3A_302 : f32
    %mul3A_304 = arith.mulf %add3A_303, %add3A_303 : f32
    %add3A_305 = arith.addf %add3A_292, %mul3A_304 : f32
    %slice3A_306 = vector.extract_strided_slice %reduce_sum3A_2 {offsets = [384], sizes = [16], strides = [1]} : vector<400xf32> to vector<16xf32>
    %reduce_sum3A_307 = vector.shape_cast %slice3A_306 : vector<16xf32> to vector<1x16xf32>
    %reduce_sum3A_308 = arith.constant dense<0.000000e+00> : vector<1xf32>
    %reduce_sum3A_309 = vector.multi_reduction <add>, %reduce_sum3A_307, %reduce_sum3A_308 [1] : vector<1x16xf32> to vector<1xf32>
    %reduce_sum3A_310 = vector.shape_cast %reduce_sum3A_309 : vector<1xf32> to vector<1x1xf32>
    %reduce_sum3A_311 = vector.extract %reduce_sum3A_310[0, 0] : f32 from vector<1x1xf32>
    %get3A_312 = arith.constant 0 : index
    %get3A_313 = arith.constant 4 : index
    %get3A_314 = arith.constant 4 : index
    %get3A_315 = memref.load %arg1[%get3A_312, %get3A_313, %get3A_314] : memref<2x5x5xf32, #tpu.memory_space<smem>>
    %add3A_316 = arith.addf %reduce_sum3A_311, %get3A_315 : f32
    %mul3A_317 = arith.mulf %add3A_316, %add3A_316 : f32
    %add3A_318 = arith.addf %add3A_305, %mul3A_317 : f32
    %sqrt3A_319 = math.sqrt %add3A_318 : f32
    %sub3A_320 = arith.constant 3.000000e+00 : f32
    %sub3A_321 = arith.subf %sub3A_320, %sqrt3A_319 : f32
    %max3A_322 = arith.constant 0.000000e+00 : f32
    %max3A_323 = arith.maximumf %sub3A_321, %max3A_322 : f32
    %integer_pow3A_324 = arith.mulf %max3A_323, %max3A_323 : f32
    %add3A_325 = arith.constant 1.000000e+00 : f32
    %add3A_326 = arith.addf %integer_pow3A_324, %add3A_325 : f32
    %log3A_327 = math.log %add3A_326 : f32
    %le3A_328 = arith.constant 4.000000e+00 : f32
    %le3A_329 = arith.cmpf ole, %le3A_328, %select_n3A_59 : f32
    %convert_element_type3A_330 = arith.extui %le3A_329 : i1 to i32
    %convert_element_type3A_331 = arith.sitofp %convert_element_type3A_330 : i32 to f32
    %mul3A_332 = arith.mulf %convert_element_type3A_331, %add3A_45 : f32
    %sub3A_333 = arith.constant 2.30258512 : f32
    %sub3A_334 = arith.subf %log3A_327, %sub3A_333 : f32
    %mul3A_335 = arith.mulf %mul3A_332, %sub3A_334 : f32
    %add3A_336 = arith.addf %add3A_265, %mul3A_335 : f32
    %sub3A_337 = arith.constant 1.000000e+00 : f32
    %sub3A_338 = arith.subf %select_n3A_59, %sub3A_337 : f32
    %mul3A_339 = arith.mulf %select_n3A_59, %sub3A_338 : f32
    %mul3A_340 = arith.constant 5.000000e-01 : f32
    %mul3A_341 = arith.mulf %mul3A_339, %mul3A_340 : f32
    %mul3A_342 = arith.constant 1207217.75 : f32
    %mul3A_343 = arith.mulf %mul3A_341, %mul3A_342 : f32
    %add3A_344 = arith.constant 0.000000e+00 : f32
    %add3A_345 = arith.addf %add3A_344, %mul3A_343 : f32
    %sub3A_346 = arith.constant 1.000000e+00 : f32
    %sub3A_347 = arith.subf %select_n3A_59, %sub3A_346 : f32
    %mul3A_348 = arith.mulf %sub3A_347, %add3A_336 : f32
    %add3A_349 = arith.addf %add3A_345, %mul3A_348 : f32
    %slice3A_350 = vector.extract_strided_slice %get3A_1 {offsets = [16, 0], sizes = [16, 400], strides = [1, 1]} : vector<32x400xf32> to vector<16x400xf32>
    %reduce_sum3A_351 = arith.constant dense<0.000000e+00> : vector<400xf32>
    %reduce_sum3A_352 = vector.multi_reduction <add>, %slice3A_350, %reduce_sum3A_351 [0] : vector<16x400xf32> to vector<400xf32>
    %slice3A_353 = vector.extract_strided_slice %reduce_sum3A_352 {offsets = [16], sizes = [16], strides = [1]} : vector<400xf32> to vector<16xf32>
    %reduce_sum3A_354 = vector.shape_cast %slice3A_353 : vector<16xf32> to vector<1x16xf32>
    %reduce_sum3A_355 = arith.constant dense<0.000000e+00> : vector<1xf32>
    %reduce_sum3A_356 = vector.multi_reduction <add>, %reduce_sum3A_354, %reduce_sum3A_355 [1] : vector<1x16xf32> to vector<1xf32>
    %reduce_sum3A_357 = vector.shape_cast %reduce_sum3A_356 : vector<1xf32> to vector<1x1xf32>
    %reduce_sum3A_358 = vector.extract %reduce_sum3A_357[0, 0] : f32 from vector<1x1xf32>
    %get3A_359 = arith.constant 1 : index
    %get3A_360 = arith.constant 0 : index
    %get3A_361 = arith.constant 1 : index
    %get3A_362 = memref.load %arg1[%get3A_359, %get3A_360, %get3A_361] : memref<2x5x5xf32, #tpu.memory_space<smem>>
    %add3A_363 = arith.addf %reduce_sum3A_358, %get3A_362 : f32
    %slice3A_364 = vector.extract_strided_slice %reduce_sum3A_352 {offsets = [32], sizes = [16], strides = [1]} : vector<400xf32> to vector<16xf32>
    %reduce_sum3A_365 = vector.shape_cast %slice3A_364 : vector<16xf32> to vector<1x16xf32>
    %reduce_sum3A_366 = arith.constant dense<0.000000e+00> : vector<1xf32>
    %reduce_sum3A_367 = vector.multi_reduction <add>, %reduce_sum3A_365, %reduce_sum3A_366 [1] : vector<1x16xf32> to vector<1xf32>
    %reduce_sum3A_368 = vector.shape_cast %reduce_sum3A_367 : vector<1xf32> to vector<1x1xf32>
    %reduce_sum3A_369 = vector.extract %reduce_sum3A_368[0, 0] : f32 from vector<1x1xf32>
    %get3A_370 = arith.constant 1 : index
    %get3A_371 = arith.constant 0 : index
    %get3A_372 = arith.constant 2 : index
    %get3A_373 = memref.load %arg1[%get3A_370, %get3A_371, %get3A_372] : memref<2x5x5xf32, #tpu.memory_space<smem>>
    %add3A_374 = arith.addf %reduce_sum3A_369, %get3A_373 : f32
    %slice3A_375 = vector.extract_strided_slice %reduce_sum3A_352 {offsets = [48], sizes = [16], strides = [1]} : vector<400xf32> to vector<16xf32>
    %reduce_sum3A_376 = vector.shape_cast %slice3A_375 : vector<16xf32> to vector<1x16xf32>
    %reduce_sum3A_377 = arith.constant dense<0.000000e+00> : vector<1xf32>
    %reduce_sum3A_378 = vector.multi_reduction <add>, %reduce_sum3A_376, %reduce_sum3A_377 [1] : vector<1x16xf32> to vector<1xf32>
    %reduce_sum3A_379 = vector.shape_cast %reduce_sum3A_378 : vector<1xf32> to vector<1x1xf32>
    %reduce_sum3A_380 = vector.extract %reduce_sum3A_379[0, 0] : f32 from vector<1x1xf32>
    %get3A_381 = arith.constant 1 : index
    %get3A_382 = arith.constant 0 : index
    %get3A_383 = arith.constant 3 : index
    %get3A_384 = memref.load %arg1[%get3A_381, %get3A_382, %get3A_383] : memref<2x5x5xf32, #tpu.memory_space<smem>>
    %add3A_385 = arith.addf %reduce_sum3A_380, %get3A_384 : f32
    %slice3A_386 = vector.extract_strided_slice %reduce_sum3A_352 {offsets = [64], sizes = [16], strides = [1]} : vector<400xf32> to vector<16xf32>
    %reduce_sum3A_387 = vector.shape_cast %slice3A_386 : vector<16xf32> to vector<1x16xf32>
    %reduce_sum3A_388 = arith.constant dense<0.000000e+00> : vector<1xf32>
    %reduce_sum3A_389 = vector.multi_reduction <add>, %reduce_sum3A_387, %reduce_sum3A_388 [1] : vector<1x16xf32> to vector<1xf32>
    %reduce_sum3A_390 = vector.shape_cast %reduce_sum3A_389 : vector<1xf32> to vector<1x1xf32>
    %reduce_sum3A_391 = vector.extract %reduce_sum3A_390[0, 0] : f32 from vector<1x1xf32>
    %get3A_392 = arith.constant 1 : index
    %get3A_393 = arith.constant 0 : index
    %get3A_394 = arith.constant 4 : index
    %get3A_395 = memref.load %arg1[%get3A_392, %get3A_393, %get3A_394] : memref<2x5x5xf32, #tpu.memory_space<smem>>
    %add3A_396 = arith.addf %reduce_sum3A_391, %get3A_395 : f32
    %gt3A_397 = arith.constant 0.000000e+00 : f32
    %gt3A_398 = arith.cmpf ogt, %add3A_363, %gt3A_397 : f32
    %jit3A_399 = arith.constant 1.000000e+00 : f32
    %jit3A_400 = arith.constant 0.000000e+00 : f32
    %select_n3A_401 = arith.select %gt3A_398, %jit3A_399, %jit3A_400 : f32
    %gt3A_402 = arith.constant 0.000000e+00 : f32
    %gt3A_403 = arith.cmpf ogt, %add3A_374, %gt3A_402 : f32
    %jit3A_404 = arith.constant 2.000000e+00 : f32
    %select_n3A_405 = arith.select %gt3A_403, %jit3A_404, %select_n3A_401 : f32
    %gt3A_406 = arith.constant 0.000000e+00 : f32
    %gt3A_407 = arith.cmpf ogt, %add3A_385, %gt3A_406 : f32
    %jit3A_408 = arith.constant 3.000000e+00 : f32
    %select_n3A_409 = arith.select %gt3A_407, %jit3A_408, %select_n3A_405 : f32
    %gt3A_410 = arith.constant 0.000000e+00 : f32
    %gt3A_411 = arith.cmpf ogt, %add3A_396, %gt3A_410 : f32
    %jit3A_412 = arith.constant 4.000000e+00 : f32
    %select_n3A_413 = arith.select %gt3A_411, %jit3A_412, %select_n3A_409 : f32
    %slice3A_414 = vector.extract_strided_slice %reduce_sum3A_352 {offsets = [96], sizes = [16], strides = [1]} : vector<400xf32> to vector<16xf32>
    %reduce_sum3A_415 = vector.shape_cast %slice3A_414 : vector<16xf32> to vector<1x16xf32>
    %reduce_sum3A_416 = arith.constant dense<0.000000e+00> : vector<1xf32>
    %reduce_sum3A_417 = vector.multi_reduction <add>, %reduce_sum3A_415, %reduce_sum3A_416 [1] : vector<1x16xf32> to vector<1xf32>
    %reduce_sum3A_418 = vector.shape_cast %reduce_sum3A_417 : vector<1xf32> to vector<1x1xf32>
    %reduce_sum3A_419 = vector.extract %reduce_sum3A_418[0, 0] : f32 from vector<1x1xf32>
    %get3A_420 = arith.constant 1 : index
    %get3A_421 = arith.constant 1 : index
    %get3A_422 = arith.constant 1 : index
    %get3A_423 = memref.load %arg1[%get3A_420, %get3A_421, %get3A_422] : memref<2x5x5xf32, #tpu.memory_space<smem>>
    %add3A_424 = arith.addf %reduce_sum3A_419, %get3A_423 : f32
    %mul3A_425 = arith.mulf %add3A_424, %add3A_424 : f32
    %add3A_426 = arith.constant 0.000000e+00 : f32
    %add3A_427 = arith.addf %add3A_426, %mul3A_425 : f32
    %slice3A_428 = vector.extract_strided_slice %reduce_sum3A_352 {offsets = [176], sizes = [16], strides = [1]} : vector<400xf32> to vector<16xf32>
    %reduce_sum3A_429 = vector.shape_cast %slice3A_428 : vector<16xf32> to vector<1x16xf32>
    %reduce_sum3A_430 = arith.constant dense<0.000000e+00> : vector<1xf32>
    %reduce_sum3A_431 = vector.multi_reduction <add>, %reduce_sum3A_429, %reduce_sum3A_430 [1] : vector<1x16xf32> to vector<1xf32>
    %reduce_sum3A_432 = vector.shape_cast %reduce_sum3A_431 : vector<1xf32> to vector<1x1xf32>
    %reduce_sum3A_433 = vector.extract %reduce_sum3A_432[0, 0] : f32 from vector<1x1xf32>
    %get3A_434 = arith.constant 1 : index
    %get3A_435 = arith.constant 2 : index
    %get3A_436 = arith.constant 1 : index
    %get3A_437 = memref.load %arg1[%get3A_434, %get3A_435, %get3A_436] : memref<2x5x5xf32, #tpu.memory_space<smem>>
    %add3A_438 = arith.addf %reduce_sum3A_433, %get3A_437 : f32
    %mul3A_439 = arith.mulf %add3A_438, %add3A_438 : f32
    %add3A_440 = arith.addf %add3A_427, %mul3A_439 : f32
    %slice3A_441 = vector.extract_strided_slice %reduce_sum3A_352 {offsets = [256], sizes = [16], strides = [1]} : vector<400xf32> to vector<16xf32>
    %reduce_sum3A_442 = vector.shape_cast %slice3A_441 : vector<16xf32> to vector<1x16xf32>
    %reduce_sum3A_443 = arith.constant dense<0.000000e+00> : vector<1xf32>
    %reduce_sum3A_444 = vector.multi_reduction <add>, %reduce_sum3A_442, %reduce_sum3A_443 [1] : vector<1x16xf32> to vector<1xf32>
    %reduce_sum3A_445 = vector.shape_cast %reduce_sum3A_444 : vector<1xf32> to vector<1x1xf32>
    %reduce_sum3A_446 = vector.extract %reduce_sum3A_445[0, 0] : f32 from vector<1x1xf32>
    %get3A_447 = arith.constant 1 : index
    %get3A_448 = arith.constant 3 : index
    %get3A_449 = arith.constant 1 : index
    %get3A_450 = memref.load %arg1[%get3A_447, %get3A_448, %get3A_449] : memref<2x5x5xf32, #tpu.memory_space<smem>>
    %add3A_451 = arith.addf %reduce_sum3A_446, %get3A_450 : f32
    %mul3A_452 = arith.mulf %add3A_451, %add3A_451 : f32
    %add3A_453 = arith.addf %add3A_440, %mul3A_452 : f32
    %slice3A_454 = vector.extract_strided_slice %reduce_sum3A_352 {offsets = [336], sizes = [16], strides = [1]} : vector<400xf32> to vector<16xf32>
    %reduce_sum3A_455 = vector.shape_cast %slice3A_454 : vector<16xf32> to vector<1x16xf32>
    %reduce_sum3A_456 = arith.constant dense<0.000000e+00> : vector<1xf32>
    %reduce_sum3A_457 = vector.multi_reduction <add>, %reduce_sum3A_455, %reduce_sum3A_456 [1] : vector<1x16xf32> to vector<1xf32>
    %reduce_sum3A_458 = vector.shape_cast %reduce_sum3A_457 : vector<1xf32> to vector<1x1xf32>
    %reduce_sum3A_459 = vector.extract %reduce_sum3A_458[0, 0] : f32 from vector<1x1xf32>
    %get3A_460 = arith.constant 1 : index
    %get3A_461 = arith.constant 4 : index
    %get3A_462 = arith.constant 1 : index
    %get3A_463 = memref.load %arg1[%get3A_460, %get3A_461, %get3A_462] : memref<2x5x5xf32, #tpu.memory_space<smem>>
    %add3A_464 = arith.addf %reduce_sum3A_459, %get3A_463 : f32
    %mul3A_465 = arith.mulf %add3A_464, %add3A_464 : f32
    %add3A_466 = arith.addf %add3A_453, %mul3A_465 : f32
    %sqrt3A_467 = math.sqrt %add3A_466 : f32
    %sub3A_468 = arith.constant 3.000000e+00 : f32
    %sub3A_469 = arith.subf %sub3A_468, %sqrt3A_467 : f32
    %max3A_470 = arith.constant 0.000000e+00 : f32
    %max3A_471 = arith.maximumf %sub3A_469, %max3A_470 : f32
    %integer_pow3A_472 = arith.mulf %max3A_471, %max3A_471 : f32
    %add3A_473 = arith.constant 1.000000e+00 : f32
    %add3A_474 = arith.addf %integer_pow3A_472, %add3A_473 : f32
    %log3A_475 = math.log %add3A_474 : f32
    %le3A_476 = arith.constant 1.000000e+00 : f32
    %le3A_477 = arith.cmpf ole, %le3A_476, %select_n3A_413 : f32
    %convert_element_type3A_478 = arith.extui %le3A_477 : i1 to i32
    %convert_element_type3A_479 = arith.sitofp %convert_element_type3A_478 : i32 to f32
    %mul3A_480 = arith.mulf %convert_element_type3A_479, %add3A_363 : f32
    %sub3A_481 = arith.constant 2.30258512 : f32
    %sub3A_482 = arith.subf %log3A_475, %sub3A_481 : f32
    %mul3A_483 = arith.mulf %mul3A_480, %sub3A_482 : f32
    %add3A_484 = arith.constant 0.000000e+00 : f32
    %add3A_485 = arith.addf %add3A_484, %mul3A_483 : f32
    %slice3A_486 = vector.extract_strided_slice %reduce_sum3A_352 {offsets = [112], sizes = [16], strides = [1]} : vector<400xf32> to vector<16xf32>
    %reduce_sum3A_487 = vector.shape_cast %slice3A_486 : vector<16xf32> to vector<1x16xf32>
    %reduce_sum3A_488 = arith.constant dense<0.000000e+00> : vector<1xf32>
    %reduce_sum3A_489 = vector.multi_reduction <add>, %reduce_sum3A_487, %reduce_sum3A_488 [1] : vector<1x16xf32> to vector<1xf32>
    %reduce_sum3A_490 = vector.shape_cast %reduce_sum3A_489 : vector<1xf32> to vector<1x1xf32>
    %reduce_sum3A_491 = vector.extract %reduce_sum3A_490[0, 0] : f32 from vector<1x1xf32>
    %get3A_492 = arith.constant 1 : index
    %get3A_493 = arith.constant 1 : index
    %get3A_494 = arith.constant 2 : index
    %get3A_495 = memref.load %arg1[%get3A_492, %get3A_493, %get3A_494] : memref<2x5x5xf32, #tpu.memory_space<smem>>
    %add3A_496 = arith.addf %reduce_sum3A_491, %get3A_495 : f32
    %mul3A_497 = arith.mulf %add3A_496, %add3A_496 : f32
    %add3A_498 = arith.constant 0.000000e+00 : f32
    %add3A_499 = arith.addf %add3A_498, %mul3A_497 : f32
    %slice3A_500 = vector.extract_strided_slice %reduce_sum3A_352 {offsets = [192], sizes = [16], strides = [1]} : vector<400xf32> to vector<16xf32>
    %reduce_sum3A_501 = vector.shape_cast %slice3A_500 : vector<16xf32> to vector<1x16xf32>
    %reduce_sum3A_502 = arith.constant dense<0.000000e+00> : vector<1xf32>
    %reduce_sum3A_503 = vector.multi_reduction <add>, %reduce_sum3A_501, %reduce_sum3A_502 [1] : vector<1x16xf32> to vector<1xf32>
    %reduce_sum3A_504 = vector.shape_cast %reduce_sum3A_503 : vector<1xf32> to vector<1x1xf32>
    %reduce_sum3A_505 = vector.extract %reduce_sum3A_504[0, 0] : f32 from vector<1x1xf32>
    %get3A_506 = arith.constant 1 : index
    %get3A_507 = arith.constant 2 : index
    %get3A_508 = arith.constant 2 : index
    %get3A_509 = memref.load %arg1[%get3A_506, %get3A_507, %get3A_508] : memref<2x5x5xf32, #tpu.memory_space<smem>>
    %add3A_510 = arith.addf %reduce_sum3A_505, %get3A_509 : f32
    %mul3A_511 = arith.mulf %add3A_510, %add3A_510 : f32
    %add3A_512 = arith.addf %add3A_499, %mul3A_511 : f32
    %slice3A_513 = vector.extract_strided_slice %reduce_sum3A_352 {offsets = [272], sizes = [16], strides = [1]} : vector<400xf32> to vector<16xf32>
    %reduce_sum3A_514 = vector.shape_cast %slice3A_513 : vector<16xf32> to vector<1x16xf32>
    %reduce_sum3A_515 = arith.constant dense<0.000000e+00> : vector<1xf32>
    %reduce_sum3A_516 = vector.multi_reduction <add>, %reduce_sum3A_514, %reduce_sum3A_515 [1] : vector<1x16xf32> to vector<1xf32>
    %reduce_sum3A_517 = vector.shape_cast %reduce_sum3A_516 : vector<1xf32> to vector<1x1xf32>
    %reduce_sum3A_518 = vector.extract %reduce_sum3A_517[0, 0] : f32 from vector<1x1xf32>
    %get3A_519 = arith.constant 1 : index
    %get3A_520 = arith.constant 3 : index
    %get3A_521 = arith.constant 2 : index
    %get3A_522 = memref.load %arg1[%get3A_519, %get3A_520, %get3A_521] : memref<2x5x5xf32, #tpu.memory_space<smem>>
    %add3A_523 = arith.addf %reduce_sum3A_518, %get3A_522 : f32
    %mul3A_524 = arith.mulf %add3A_523, %add3A_523 : f32
    %add3A_525 = arith.addf %add3A_512, %mul3A_524 : f32
    %slice3A_526 = vector.extract_strided_slice %reduce_sum3A_352 {offsets = [352], sizes = [16], strides = [1]} : vector<400xf32> to vector<16xf32>
    %reduce_sum3A_527 = vector.shape_cast %slice3A_526 : vector<16xf32> to vector<1x16xf32>
    %reduce_sum3A_528 = arith.constant dense<0.000000e+00> : vector<1xf32>
    %reduce_sum3A_529 = vector.multi_reduction <add>, %reduce_sum3A_527, %reduce_sum3A_528 [1] : vector<1x16xf32> to vector<1xf32>
    %reduce_sum3A_530 = vector.shape_cast %reduce_sum3A_529 : vector<1xf32> to vector<1x1xf32>
    %reduce_sum3A_531 = vector.extract %reduce_sum3A_530[0, 0] : f32 from vector<1x1xf32>
    %get3A_532 = arith.constant 1 : index
    %get3A_533 = arith.constant 4 : index
    %get3A_534 = arith.constant 2 : index
    %get3A_535 = memref.load %arg1[%get3A_532, %get3A_533, %get3A_534] : memref<2x5x5xf32, #tpu.memory_space<smem>>
    %add3A_536 = arith.addf %reduce_sum3A_531, %get3A_535 : f32
    %mul3A_537 = arith.mulf %add3A_536, %add3A_536 : f32
    %add3A_538 = arith.addf %add3A_525, %mul3A_537 : f32
    %sqrt3A_539 = math.sqrt %add3A_538 : f32
    %sub3A_540 = arith.constant 3.000000e+00 : f32
    %sub3A_541 = arith.subf %sub3A_540, %sqrt3A_539 : f32
    %max3A_542 = arith.constant 0.000000e+00 : f32
    %max3A_543 = arith.maximumf %sub3A_541, %max3A_542 : f32
    %integer_pow3A_544 = arith.mulf %max3A_543, %max3A_543 : f32
    %add3A_545 = arith.constant 1.000000e+00 : f32
    %add3A_546 = arith.addf %integer_pow3A_544, %add3A_545 : f32
    %log3A_547 = math.log %add3A_546 : f32
    %le3A_548 = arith.constant 2.000000e+00 : f32
    %le3A_549 = arith.cmpf ole, %le3A_548, %select_n3A_413 : f32
    %convert_element_type3A_550 = arith.extui %le3A_549 : i1 to i32
    %convert_element_type3A_551 = arith.sitofp %convert_element_type3A_550 : i32 to f32
    %mul3A_552 = arith.mulf %convert_element_type3A_551, %add3A_374 : f32
    %sub3A_553 = arith.constant 2.30258512 : f32
    %sub3A_554 = arith.subf %log3A_547, %sub3A_553 : f32
    %mul3A_555 = arith.mulf %mul3A_552, %sub3A_554 : f32
    %add3A_556 = arith.addf %add3A_485, %mul3A_555 : f32
    %slice3A_557 = vector.extract_strided_slice %reduce_sum3A_352 {offsets = [128], sizes = [16], strides = [1]} : vector<400xf32> to vector<16xf32>
    %reduce_sum3A_558 = vector.shape_cast %slice3A_557 : vector<16xf32> to vector<1x16xf32>
    %reduce_sum3A_559 = arith.constant dense<0.000000e+00> : vector<1xf32>
    %reduce_sum3A_560 = vector.multi_reduction <add>, %reduce_sum3A_558, %reduce_sum3A_559 [1] : vector<1x16xf32> to vector<1xf32>
    %reduce_sum3A_561 = vector.shape_cast %reduce_sum3A_560 : vector<1xf32> to vector<1x1xf32>
    %reduce_sum3A_562 = vector.extract %reduce_sum3A_561[0, 0] : f32 from vector<1x1xf32>
    %get3A_563 = arith.constant 1 : index
    %get3A_564 = arith.constant 1 : index
    %get3A_565 = arith.constant 3 : index
    %get3A_566 = memref.load %arg1[%get3A_563, %get3A_564, %get3A_565] : memref<2x5x5xf32, #tpu.memory_space<smem>>
    %add3A_567 = arith.addf %reduce_sum3A_562, %get3A_566 : f32
    %mul3A_568 = arith.mulf %add3A_567, %add3A_567 : f32
    %add3A_569 = arith.constant 0.000000e+00 : f32
    %add3A_570 = arith.addf %add3A_569, %mul3A_568 : f32
    %slice3A_571 = vector.extract_strided_slice %reduce_sum3A_352 {offsets = [208], sizes = [16], strides = [1]} : vector<400xf32> to vector<16xf32>
    %reduce_sum3A_572 = vector.shape_cast %slice3A_571 : vector<16xf32> to vector<1x16xf32>
    %reduce_sum3A_573 = arith.constant dense<0.000000e+00> : vector<1xf32>
    %reduce_sum3A_574 = vector.multi_reduction <add>, %reduce_sum3A_572, %reduce_sum3A_573 [1] : vector<1x16xf32> to vector<1xf32>
    %reduce_sum3A_575 = vector.shape_cast %reduce_sum3A_574 : vector<1xf32> to vector<1x1xf32>
    %reduce_sum3A_576 = vector.extract %reduce_sum3A_575[0, 0] : f32 from vector<1x1xf32>
    %get3A_577 = arith.constant 1 : index
    %get3A_578 = arith.constant 2 : index
    %get3A_579 = arith.constant 3 : index
    %get3A_580 = memref.load %arg1[%get3A_577, %get3A_578, %get3A_579] : memref<2x5x5xf32, #tpu.memory_space<smem>>
    %add3A_581 = arith.addf %reduce_sum3A_576, %get3A_580 : f32
    %mul3A_582 = arith.mulf %add3A_581, %add3A_581 : f32
    %add3A_583 = arith.addf %add3A_570, %mul3A_582 : f32
    %slice3A_584 = vector.extract_strided_slice %reduce_sum3A_352 {offsets = [288], sizes = [16], strides = [1]} : vector<400xf32> to vector<16xf32>
    %reduce_sum3A_585 = vector.shape_cast %slice3A_584 : vector<16xf32> to vector<1x16xf32>
    %reduce_sum3A_586 = arith.constant dense<0.000000e+00> : vector<1xf32>
    %reduce_sum3A_587 = vector.multi_reduction <add>, %reduce_sum3A_585, %reduce_sum3A_586 [1] : vector<1x16xf32> to vector<1xf32>
    %reduce_sum3A_588 = vector.shape_cast %reduce_sum3A_587 : vector<1xf32> to vector<1x1xf32>
    %reduce_sum3A_589 = vector.extract %reduce_sum3A_588[0, 0] : f32 from vector<1x1xf32>
    %get3A_590 = arith.constant 1 : index
    %get3A_591 = arith.constant 3 : index
    %get3A_592 = arith.constant 3 : index
    %get3A_593 = memref.load %arg1[%get3A_590, %get3A_591, %get3A_592] : memref<2x5x5xf32, #tpu.memory_space<smem>>
    %add3A_594 = arith.addf %reduce_sum3A_589, %get3A_593 : f32
    %mul3A_595 = arith.mulf %add3A_594, %add3A_594 : f32
    %add3A_596 = arith.addf %add3A_583, %mul3A_595 : f32
    %slice3A_597 = vector.extract_strided_slice %reduce_sum3A_352 {offsets = [368], sizes = [16], strides = [1]} : vector<400xf32> to vector<16xf32>
    %reduce_sum3A_598 = vector.shape_cast %slice3A_597 : vector<16xf32> to vector<1x16xf32>
    %reduce_sum3A_599 = arith.constant dense<0.000000e+00> : vector<1xf32>
    %reduce_sum3A_600 = vector.multi_reduction <add>, %reduce_sum3A_598, %reduce_sum3A_599 [1] : vector<1x16xf32> to vector<1xf32>
    %reduce_sum3A_601 = vector.shape_cast %reduce_sum3A_600 : vector<1xf32> to vector<1x1xf32>
    %reduce_sum3A_602 = vector.extract %reduce_sum3A_601[0, 0] : f32 from vector<1x1xf32>
    %get3A_603 = arith.constant 1 : index
    %get3A_604 = arith.constant 4 : index
    %get3A_605 = arith.constant 3 : index
    %get3A_606 = memref.load %arg1[%get3A_603, %get3A_604, %get3A_605] : memref<2x5x5xf32, #tpu.memory_space<smem>>
    %add3A_607 = arith.addf %reduce_sum3A_602, %get3A_606 : f32
    %mul3A_608 = arith.mulf %add3A_607, %add3A_607 : f32
    %add3A_609 = arith.addf %add3A_596, %mul3A_608 : f32
    %sqrt3A_610 = math.sqrt %add3A_609 : f32
    %sub3A_611 = arith.constant 3.000000e+00 : f32
    %sub3A_612 = arith.subf %sub3A_611, %sqrt3A_610 : f32
    %max3A_613 = arith.constant 0.000000e+00 : f32
    %max3A_614 = arith.maximumf %sub3A_612, %max3A_613 : f32
    %integer_pow3A_615 = arith.mulf %max3A_614, %max3A_614 : f32
    %add3A_616 = arith.constant 1.000000e+00 : f32
    %add3A_617 = arith.addf %integer_pow3A_615, %add3A_616 : f32
    %log3A_618 = math.log %add3A_617 : f32
    %le3A_619 = arith.constant 3.000000e+00 : f32
    %le3A_620 = arith.cmpf ole, %le3A_619, %select_n3A_413 : f32
    %convert_element_type3A_621 = arith.extui %le3A_620 : i1 to i32
    %convert_element_type3A_622 = arith.sitofp %convert_element_type3A_621 : i32 to f32
    %mul3A_623 = arith.mulf %convert_element_type3A_622, %add3A_385 : f32
    %sub3A_624 = arith.constant 2.30258512 : f32
    %sub3A_625 = arith.subf %log3A_618, %sub3A_624 : f32
    %mul3A_626 = arith.mulf %mul3A_623, %sub3A_625 : f32
    %add3A_627 = arith.addf %add3A_556, %mul3A_626 : f32
    %slice3A_628 = vector.extract_strided_slice %reduce_sum3A_352 {offsets = [144], sizes = [16], strides = [1]} : vector<400xf32> to vector<16xf32>
    %reduce_sum3A_629 = vector.shape_cast %slice3A_628 : vector<16xf32> to vector<1x16xf32>
    %reduce_sum3A_630 = arith.constant dense<0.000000e+00> : vector<1xf32>
    %reduce_sum3A_631 = vector.multi_reduction <add>, %reduce_sum3A_629, %reduce_sum3A_630 [1] : vector<1x16xf32> to vector<1xf32>
    %reduce_sum3A_632 = vector.shape_cast %reduce_sum3A_631 : vector<1xf32> to vector<1x1xf32>
    %reduce_sum3A_633 = vector.extract %reduce_sum3A_632[0, 0] : f32 from vector<1x1xf32>
    %get3A_634 = arith.constant 1 : index
    %get3A_635 = arith.constant 1 : index
    %get3A_636 = arith.constant 4 : index
    %get3A_637 = memref.load %arg1[%get3A_634, %get3A_635, %get3A_636] : memref<2x5x5xf32, #tpu.memory_space<smem>>
    %add3A_638 = arith.addf %reduce_sum3A_633, %get3A_637 : f32
    %mul3A_639 = arith.mulf %add3A_638, %add3A_638 : f32
    %add3A_640 = arith.constant 0.000000e+00 : f32
    %add3A_641 = arith.addf %add3A_640, %mul3A_639 : f32
    %slice3A_642 = vector.extract_strided_slice %reduce_sum3A_352 {offsets = [224], sizes = [16], strides = [1]} : vector<400xf32> to vector<16xf32>
    %reduce_sum3A_643 = vector.shape_cast %slice3A_642 : vector<16xf32> to vector<1x16xf32>
    %reduce_sum3A_644 = arith.constant dense<0.000000e+00> : vector<1xf32>
    %reduce_sum3A_645 = vector.multi_reduction <add>, %reduce_sum3A_643, %reduce_sum3A_644 [1] : vector<1x16xf32> to vector<1xf32>
    %reduce_sum3A_646 = vector.shape_cast %reduce_sum3A_645 : vector<1xf32> to vector<1x1xf32>
    %reduce_sum3A_647 = vector.extract %reduce_sum3A_646[0, 0] : f32 from vector<1x1xf32>
    %get3A_648 = arith.constant 1 : index
    %get3A_649 = arith.constant 2 : index
    %get3A_650 = arith.constant 4 : index
    %get3A_651 = memref.load %arg1[%get3A_648, %get3A_649, %get3A_650] : memref<2x5x5xf32, #tpu.memory_space<smem>>
    %add3A_652 = arith.addf %reduce_sum3A_647, %get3A_651 : f32
    %mul3A_653 = arith.mulf %add3A_652, %add3A_652 : f32
    %add3A_654 = arith.addf %add3A_641, %mul3A_653 : f32
    %slice3A_655 = vector.extract_strided_slice %reduce_sum3A_352 {offsets = [304], sizes = [16], strides = [1]} : vector<400xf32> to vector<16xf32>
    %reduce_sum3A_656 = vector.shape_cast %slice3A_655 : vector<16xf32> to vector<1x16xf32>
    %reduce_sum3A_657 = arith.constant dense<0.000000e+00> : vector<1xf32>
    %reduce_sum3A_658 = vector.multi_reduction <add>, %reduce_sum3A_656, %reduce_sum3A_657 [1] : vector<1x16xf32> to vector<1xf32>
    %reduce_sum3A_659 = vector.shape_cast %reduce_sum3A_658 : vector<1xf32> to vector<1x1xf32>
    %reduce_sum3A_660 = vector.extract %reduce_sum3A_659[0, 0] : f32 from vector<1x1xf32>
    %get3A_661 = arith.constant 1 : index
    %get3A_662 = arith.constant 3 : index
    %get3A_663 = arith.constant 4 : index
    %get3A_664 = memref.load %arg1[%get3A_661, %get3A_662, %get3A_663] : memref<2x5x5xf32, #tpu.memory_space<smem>>
    %add3A_665 = arith.addf %reduce_sum3A_660, %get3A_664 : f32
    %mul3A_666 = arith.mulf %add3A_665, %add3A_665 : f32
    %add3A_667 = arith.addf %add3A_654, %mul3A_666 : f32
    %slice3A_668 = vector.extract_strided_slice %reduce_sum3A_352 {offsets = [384], sizes = [16], strides = [1]} : vector<400xf32> to vector<16xf32>
    %reduce_sum3A_669 = vector.shape_cast %slice3A_668 : vector<16xf32> to vector<1x16xf32>
    %reduce_sum3A_670 = arith.constant dense<0.000000e+00> : vector<1xf32>
    %reduce_sum3A_671 = vector.multi_reduction <add>, %reduce_sum3A_669, %reduce_sum3A_670 [1] : vector<1x16xf32> to vector<1xf32>
    %reduce_sum3A_672 = vector.shape_cast %reduce_sum3A_671 : vector<1xf32> to vector<1x1xf32>
    %reduce_sum3A_673 = vector.extract %reduce_sum3A_672[0, 0] : f32 from vector<1x1xf32>
    %get3A_674 = arith.constant 1 : index
    %get3A_675 = arith.constant 4 : index
    %get3A_676 = arith.constant 4 : index
    %get3A_677 = memref.load %arg1[%get3A_674, %get3A_675, %get3A_676] : memref<2x5x5xf32, #tpu.memory_space<smem>>
    %add3A_678 = arith.addf %reduce_sum3A_673, %get3A_677 : f32
    %mul3A_679 = arith.mulf %add3A_678, %add3A_678 : f32
    %add3A_680 = arith.addf %add3A_667, %mul3A_679 : f32
    %sqrt3A_681 = math.sqrt %add3A_680 : f32
    %sub3A_682 = arith.constant 3.000000e+00 : f32
    %sub3A_683 = arith.subf %sub3A_682, %sqrt3A_681 : f32
    %max3A_684 = arith.constant 0.000000e+00 : f32
    %max3A_685 = arith.maximumf %sub3A_683, %max3A_684 : f32
    %integer_pow3A_686 = arith.mulf %max3A_685, %max3A_685 : f32
    %add3A_687 = arith.constant 1.000000e+00 : f32
    %add3A_688 = arith.addf %integer_pow3A_686, %add3A_687 : f32
    %log3A_689 = math.log %add3A_688 : f32
    %le3A_690 = arith.constant 4.000000e+00 : f32
    %le3A_691 = arith.cmpf ole, %le3A_690, %select_n3A_413 : f32
    %convert_element_type3A_692 = arith.extui %le3A_691 : i1 to i32
    %convert_element_type3A_693 = arith.sitofp %convert_element_type3A_692 : i32 to f32
    %mul3A_694 = arith.mulf %convert_element_type3A_693, %add3A_396 : f32
    %sub3A_695 = arith.constant 2.30258512 : f32
    %sub3A_696 = arith.subf %log3A_689, %sub3A_695 : f32
    %mul3A_697 = arith.mulf %mul3A_694, %sub3A_696 : f32
    %add3A_698 = arith.addf %add3A_627, %mul3A_697 : f32
    %sub3A_699 = arith.constant 1.000000e+00 : f32
    %sub3A_700 = arith.subf %select_n3A_413, %sub3A_699 : f32
    %mul3A_701 = arith.mulf %select_n3A_413, %sub3A_700 : f32
    %mul3A_702 = arith.constant 5.000000e-01 : f32
    %mul3A_703 = arith.mulf %mul3A_701, %mul3A_702 : f32
    %mul3A_704 = arith.constant 1207217.75 : f32
    %mul3A_705 = arith.mulf %mul3A_703, %mul3A_704 : f32
    %add3A_706 = arith.addf %add3A_349, %mul3A_705 : f32
    %sub3A_707 = arith.constant 1.000000e+00 : f32
    %sub3A_708 = arith.subf %select_n3A_413, %sub3A_707 : f32
    %mul3A_709 = arith.mulf %sub3A_708, %add3A_698 : f32
    %add3A_710 = arith.addf %add3A_706, %mul3A_709 : f32
    %swap3A = arith.constant 0 : index
    %swap3A_711 = arith.constant 0 : index
    %swap3A_712 = memref.load %arg2[%swap3A, %swap3A_711] : memref<1x1xf32, #tpu.memory_space<smem>>
    memref.store %add3A_710, %arg2[%swap3A, %swap3A_711] : memref<1x1xf32, #tpu.memory_space<smem>>
    return
  }
}

module attributes {stable_mosaic.version = 14 : i64} {
  func.func @_tc_partial(%arg0: i32, %arg1: i32, %arg2: memref<1x4x128x512xf32, #tpu.memory_space<vmem>>, %arg3: memref<1x1x128x512xi32, #tpu.memory_space<vmem>>, %arg4: memref<2x5x5xf32, #tpu.memory_space<smem>>) attributes {dimension_semantics = [#tpu.dimension_semantics<arbitrary>, #tpu.dimension_semantics<arbitrary>], iteration_bounds = array<i64: 2, 3>, scalar_prefetch = 0 : i64, scratch_operands = 0 : i64, tpu.core_type = #tpu.core_type<tc>, window_params = [{transform_indices = @transform_0, window_bounds = array<i64: 1, 4, 128, 512>}, {transform_indices = @transform_1, window_bounds = array<i64: 1, 1, 128, 512>}, {transform_indices = @transform_2, window_bounds = array<i64: 2, 5, 5>}]} {
    %eq3A = arith.constant 0 : i32
    %eq3A_0 = arith.cmpi eq, %arg0, %eq3A : i32
    %eq3A_1 = arith.constant 0 : i32
    %eq3A_2 = arith.cmpi eq, %arg1, %eq3A_1 : i32
    %and3A = arith.andi %eq3A_0, %eq3A_2 : i1
    %convert_element_type3A = arith.extui %and3A : i1 to i32
    %cond3A = arith.constant 0 : i32
    %cond3A_3 = arith.cmpi ne, %convert_element_type3A, %cond3A : i32
    scf.if %cond3A_3 {
      %swap3A_375 = arith.constant 0.000000e+00 : f32
      %swap3A_376 = arith.constant 0 : index
      %swap3A_377 = arith.constant 0 : index
      %swap3A_378 = arith.constant 0 : index
      %swap3A_379 = memref.load %arg4[%swap3A_376, %swap3A_377, %swap3A_378] : memref<2x5x5xf32, #tpu.memory_space<smem>>
      memref.store %swap3A_375, %arg4[%swap3A_376, %swap3A_377, %swap3A_378] : memref<2x5x5xf32, #tpu.memory_space<smem>>
      %swap3A_380 = arith.constant 0.000000e+00 : f32
      %swap3A_381 = arith.constant 0 : index
      %swap3A_382 = arith.constant 0 : index
      %swap3A_383 = arith.constant 1 : index
      %swap3A_384 = memref.load %arg4[%swap3A_381, %swap3A_382, %swap3A_383] : memref<2x5x5xf32, #tpu.memory_space<smem>>
      memref.store %swap3A_380, %arg4[%swap3A_381, %swap3A_382, %swap3A_383] : memref<2x5x5xf32, #tpu.memory_space<smem>>
      %swap3A_385 = arith.constant 0.000000e+00 : f32
      %swap3A_386 = arith.constant 0 : index
      %swap3A_387 = arith.constant 0 : index
      %swap3A_388 = arith.constant 2 : index
      %swap3A_389 = memref.load %arg4[%swap3A_386, %swap3A_387, %swap3A_388] : memref<2x5x5xf32, #tpu.memory_space<smem>>
      memref.store %swap3A_385, %arg4[%swap3A_386, %swap3A_387, %swap3A_388] : memref<2x5x5xf32, #tpu.memory_space<smem>>
      %swap3A_390 = arith.constant 0.000000e+00 : f32
      %swap3A_391 = arith.constant 0 : index
      %swap3A_392 = arith.constant 0 : index
      %swap3A_393 = arith.constant 3 : index
      %swap3A_394 = memref.load %arg4[%swap3A_391, %swap3A_392, %swap3A_393] : memref<2x5x5xf32, #tpu.memory_space<smem>>
      memref.store %swap3A_390, %arg4[%swap3A_391, %swap3A_392, %swap3A_393] : memref<2x5x5xf32, #tpu.memory_space<smem>>
      %swap3A_395 = arith.constant 0.000000e+00 : f32
      %swap3A_396 = arith.constant 0 : index
      %swap3A_397 = arith.constant 0 : index
      %swap3A_398 = arith.constant 4 : index
      %swap3A_399 = memref.load %arg4[%swap3A_396, %swap3A_397, %swap3A_398] : memref<2x5x5xf32, #tpu.memory_space<smem>>
      memref.store %swap3A_395, %arg4[%swap3A_396, %swap3A_397, %swap3A_398] : memref<2x5x5xf32, #tpu.memory_space<smem>>
      %swap3A_400 = arith.constant 0.000000e+00 : f32
      %swap3A_401 = arith.constant 0 : index
      %swap3A_402 = arith.constant 1 : index
      %swap3A_403 = arith.constant 0 : index
      %swap3A_404 = memref.load %arg4[%swap3A_401, %swap3A_402, %swap3A_403] : memref<2x5x5xf32, #tpu.memory_space<smem>>
      memref.store %swap3A_400, %arg4[%swap3A_401, %swap3A_402, %swap3A_403] : memref<2x5x5xf32, #tpu.memory_space<smem>>
      %swap3A_405 = arith.constant 0.000000e+00 : f32
      %swap3A_406 = arith.constant 0 : index
      %swap3A_407 = arith.constant 1 : index
      %swap3A_408 = arith.constant 1 : index
      %swap3A_409 = memref.load %arg4[%swap3A_406, %swap3A_407, %swap3A_408] : memref<2x5x5xf32, #tpu.memory_space<smem>>
      memref.store %swap3A_405, %arg4[%swap3A_406, %swap3A_407, %swap3A_408] : memref<2x5x5xf32, #tpu.memory_space<smem>>
      %swap3A_410 = arith.constant 0.000000e+00 : f32
      %swap3A_411 = arith.constant 0 : index
      %swap3A_412 = arith.constant 1 : index
      %swap3A_413 = arith.constant 2 : index
      %swap3A_414 = memref.load %arg4[%swap3A_411, %swap3A_412, %swap3A_413] : memref<2x5x5xf32, #tpu.memory_space<smem>>
      memref.store %swap3A_410, %arg4[%swap3A_411, %swap3A_412, %swap3A_413] : memref<2x5x5xf32, #tpu.memory_space<smem>>
      %swap3A_415 = arith.constant 0.000000e+00 : f32
      %swap3A_416 = arith.constant 0 : index
      %swap3A_417 = arith.constant 1 : index
      %swap3A_418 = arith.constant 3 : index
      %swap3A_419 = memref.load %arg4[%swap3A_416, %swap3A_417, %swap3A_418] : memref<2x5x5xf32, #tpu.memory_space<smem>>
      memref.store %swap3A_415, %arg4[%swap3A_416, %swap3A_417, %swap3A_418] : memref<2x5x5xf32, #tpu.memory_space<smem>>
      %swap3A_420 = arith.constant 0.000000e+00 : f32
      %swap3A_421 = arith.constant 0 : index
      %swap3A_422 = arith.constant 1 : index
      %swap3A_423 = arith.constant 4 : index
      %swap3A_424 = memref.load %arg4[%swap3A_421, %swap3A_422, %swap3A_423] : memref<2x5x5xf32, #tpu.memory_space<smem>>
      memref.store %swap3A_420, %arg4[%swap3A_421, %swap3A_422, %swap3A_423] : memref<2x5x5xf32, #tpu.memory_space<smem>>
      %swap3A_425 = arith.constant 0.000000e+00 : f32
      %swap3A_426 = arith.constant 0 : index
      %swap3A_427 = arith.constant 2 : index
      %swap3A_428 = arith.constant 0 : index
      %swap3A_429 = memref.load %arg4[%swap3A_426, %swap3A_427, %swap3A_428] : memref<2x5x5xf32, #tpu.memory_space<smem>>
      memref.store %swap3A_425, %arg4[%swap3A_426, %swap3A_427, %swap3A_428] : memref<2x5x5xf32, #tpu.memory_space<smem>>
      %swap3A_430 = arith.constant 0.000000e+00 : f32
      %swap3A_431 = arith.constant 0 : index
      %swap3A_432 = arith.constant 2 : index
      %swap3A_433 = arith.constant 1 : index
      %swap3A_434 = memref.load %arg4[%swap3A_431, %swap3A_432, %swap3A_433] : memref<2x5x5xf32, #tpu.memory_space<smem>>
      memref.store %swap3A_430, %arg4[%swap3A_431, %swap3A_432, %swap3A_433] : memref<2x5x5xf32, #tpu.memory_space<smem>>
      %swap3A_435 = arith.constant 0.000000e+00 : f32
      %swap3A_436 = arith.constant 0 : index
      %swap3A_437 = arith.constant 2 : index
      %swap3A_438 = arith.constant 2 : index
      %swap3A_439 = memref.load %arg4[%swap3A_436, %swap3A_437, %swap3A_438] : memref<2x5x5xf32, #tpu.memory_space<smem>>
      memref.store %swap3A_435, %arg4[%swap3A_436, %swap3A_437, %swap3A_438] : memref<2x5x5xf32, #tpu.memory_space<smem>>
      %swap3A_440 = arith.constant 0.000000e+00 : f32
      %swap3A_441 = arith.constant 0 : index
      %swap3A_442 = arith.constant 2 : index
      %swap3A_443 = arith.constant 3 : index
      %swap3A_444 = memref.load %arg4[%swap3A_441, %swap3A_442, %swap3A_443] : memref<2x5x5xf32, #tpu.memory_space<smem>>
      memref.store %swap3A_440, %arg4[%swap3A_441, %swap3A_442, %swap3A_443] : memref<2x5x5xf32, #tpu.memory_space<smem>>
      %swap3A_445 = arith.constant 0.000000e+00 : f32
      %swap3A_446 = arith.constant 0 : index
      %swap3A_447 = arith.constant 2 : index
      %swap3A_448 = arith.constant 4 : index
      %swap3A_449 = memref.load %arg4[%swap3A_446, %swap3A_447, %swap3A_448] : memref<2x5x5xf32, #tpu.memory_space<smem>>
      memref.store %swap3A_445, %arg4[%swap3A_446, %swap3A_447, %swap3A_448] : memref<2x5x5xf32, #tpu.memory_space<smem>>
      %swap3A_450 = arith.constant 0.000000e+00 : f32
      %swap3A_451 = arith.constant 0 : index
      %swap3A_452 = arith.constant 3 : index
      %swap3A_453 = arith.constant 0 : index
      %swap3A_454 = memref.load %arg4[%swap3A_451, %swap3A_452, %swap3A_453] : memref<2x5x5xf32, #tpu.memory_space<smem>>
      memref.store %swap3A_450, %arg4[%swap3A_451, %swap3A_452, %swap3A_453] : memref<2x5x5xf32, #tpu.memory_space<smem>>
      %swap3A_455 = arith.constant 0.000000e+00 : f32
      %swap3A_456 = arith.constant 0 : index
      %swap3A_457 = arith.constant 3 : index
      %swap3A_458 = arith.constant 1 : index
      %swap3A_459 = memref.load %arg4[%swap3A_456, %swap3A_457, %swap3A_458] : memref<2x5x5xf32, #tpu.memory_space<smem>>
      memref.store %swap3A_455, %arg4[%swap3A_456, %swap3A_457, %swap3A_458] : memref<2x5x5xf32, #tpu.memory_space<smem>>
      %swap3A_460 = arith.constant 0.000000e+00 : f32
      %swap3A_461 = arith.constant 0 : index
      %swap3A_462 = arith.constant 3 : index
      %swap3A_463 = arith.constant 2 : index
      %swap3A_464 = memref.load %arg4[%swap3A_461, %swap3A_462, %swap3A_463] : memref<2x5x5xf32, #tpu.memory_space<smem>>
      memref.store %swap3A_460, %arg4[%swap3A_461, %swap3A_462, %swap3A_463] : memref<2x5x5xf32, #tpu.memory_space<smem>>
      %swap3A_465 = arith.constant 0.000000e+00 : f32
      %swap3A_466 = arith.constant 0 : index
      %swap3A_467 = arith.constant 3 : index
      %swap3A_468 = arith.constant 3 : index
      %swap3A_469 = memref.load %arg4[%swap3A_466, %swap3A_467, %swap3A_468] : memref<2x5x5xf32, #tpu.memory_space<smem>>
      memref.store %swap3A_465, %arg4[%swap3A_466, %swap3A_467, %swap3A_468] : memref<2x5x5xf32, #tpu.memory_space<smem>>
      %swap3A_470 = arith.constant 0.000000e+00 : f32
      %swap3A_471 = arith.constant 0 : index
      %swap3A_472 = arith.constant 3 : index
      %swap3A_473 = arith.constant 4 : index
      %swap3A_474 = memref.load %arg4[%swap3A_471, %swap3A_472, %swap3A_473] : memref<2x5x5xf32, #tpu.memory_space<smem>>
      memref.store %swap3A_470, %arg4[%swap3A_471, %swap3A_472, %swap3A_473] : memref<2x5x5xf32, #tpu.memory_space<smem>>
      %swap3A_475 = arith.constant 0.000000e+00 : f32
      %swap3A_476 = arith.constant 0 : index
      %swap3A_477 = arith.constant 4 : index
      %swap3A_478 = arith.constant 0 : index
      %swap3A_479 = memref.load %arg4[%swap3A_476, %swap3A_477, %swap3A_478] : memref<2x5x5xf32, #tpu.memory_space<smem>>
      memref.store %swap3A_475, %arg4[%swap3A_476, %swap3A_477, %swap3A_478] : memref<2x5x5xf32, #tpu.memory_space<smem>>
      %swap3A_480 = arith.constant 0.000000e+00 : f32
      %swap3A_481 = arith.constant 0 : index
      %swap3A_482 = arith.constant 4 : index
      %swap3A_483 = arith.constant 1 : index
      %swap3A_484 = memref.load %arg4[%swap3A_481, %swap3A_482, %swap3A_483] : memref<2x5x5xf32, #tpu.memory_space<smem>>
      memref.store %swap3A_480, %arg4[%swap3A_481, %swap3A_482, %swap3A_483] : memref<2x5x5xf32, #tpu.memory_space<smem>>
      %swap3A_485 = arith.constant 0.000000e+00 : f32
      %swap3A_486 = arith.constant 0 : index
      %swap3A_487 = arith.constant 4 : index
      %swap3A_488 = arith.constant 2 : index
      %swap3A_489 = memref.load %arg4[%swap3A_486, %swap3A_487, %swap3A_488] : memref<2x5x5xf32, #tpu.memory_space<smem>>
      memref.store %swap3A_485, %arg4[%swap3A_486, %swap3A_487, %swap3A_488] : memref<2x5x5xf32, #tpu.memory_space<smem>>
      %swap3A_490 = arith.constant 0.000000e+00 : f32
      %swap3A_491 = arith.constant 0 : index
      %swap3A_492 = arith.constant 4 : index
      %swap3A_493 = arith.constant 3 : index
      %swap3A_494 = memref.load %arg4[%swap3A_491, %swap3A_492, %swap3A_493] : memref<2x5x5xf32, #tpu.memory_space<smem>>
      memref.store %swap3A_490, %arg4[%swap3A_491, %swap3A_492, %swap3A_493] : memref<2x5x5xf32, #tpu.memory_space<smem>>
      %swap3A_495 = arith.constant 0.000000e+00 : f32
      %swap3A_496 = arith.constant 0 : index
      %swap3A_497 = arith.constant 4 : index
      %swap3A_498 = arith.constant 4 : index
      %swap3A_499 = memref.load %arg4[%swap3A_496, %swap3A_497, %swap3A_498] : memref<2x5x5xf32, #tpu.memory_space<smem>>
      memref.store %swap3A_495, %arg4[%swap3A_496, %swap3A_497, %swap3A_498] : memref<2x5x5xf32, #tpu.memory_space<smem>>
      %swap3A_500 = arith.constant 0.000000e+00 : f32
      %swap3A_501 = arith.constant 1 : index
      %swap3A_502 = arith.constant 0 : index
      %swap3A_503 = arith.constant 0 : index
      %swap3A_504 = memref.load %arg4[%swap3A_501, %swap3A_502, %swap3A_503] : memref<2x5x5xf32, #tpu.memory_space<smem>>
      memref.store %swap3A_500, %arg4[%swap3A_501, %swap3A_502, %swap3A_503] : memref<2x5x5xf32, #tpu.memory_space<smem>>
      %swap3A_505 = arith.constant 0.000000e+00 : f32
      %swap3A_506 = arith.constant 1 : index
      %swap3A_507 = arith.constant 0 : index
      %swap3A_508 = arith.constant 1 : index
      %swap3A_509 = memref.load %arg4[%swap3A_506, %swap3A_507, %swap3A_508] : memref<2x5x5xf32, #tpu.memory_space<smem>>
      memref.store %swap3A_505, %arg4[%swap3A_506, %swap3A_507, %swap3A_508] : memref<2x5x5xf32, #tpu.memory_space<smem>>
      %swap3A_510 = arith.constant 0.000000e+00 : f32
      %swap3A_511 = arith.constant 1 : index
      %swap3A_512 = arith.constant 0 : index
      %swap3A_513 = arith.constant 2 : index
      %swap3A_514 = memref.load %arg4[%swap3A_511, %swap3A_512, %swap3A_513] : memref<2x5x5xf32, #tpu.memory_space<smem>>
      memref.store %swap3A_510, %arg4[%swap3A_511, %swap3A_512, %swap3A_513] : memref<2x5x5xf32, #tpu.memory_space<smem>>
      %swap3A_515 = arith.constant 0.000000e+00 : f32
      %swap3A_516 = arith.constant 1 : index
      %swap3A_517 = arith.constant 0 : index
      %swap3A_518 = arith.constant 3 : index
      %swap3A_519 = memref.load %arg4[%swap3A_516, %swap3A_517, %swap3A_518] : memref<2x5x5xf32, #tpu.memory_space<smem>>
      memref.store %swap3A_515, %arg4[%swap3A_516, %swap3A_517, %swap3A_518] : memref<2x5x5xf32, #tpu.memory_space<smem>>
      %swap3A_520 = arith.constant 0.000000e+00 : f32
      %swap3A_521 = arith.constant 1 : index
      %swap3A_522 = arith.constant 0 : index
      %swap3A_523 = arith.constant 4 : index
      %swap3A_524 = memref.load %arg4[%swap3A_521, %swap3A_522, %swap3A_523] : memref<2x5x5xf32, #tpu.memory_space<smem>>
      memref.store %swap3A_520, %arg4[%swap3A_521, %swap3A_522, %swap3A_523] : memref<2x5x5xf32, #tpu.memory_space<smem>>
      %swap3A_525 = arith.constant 0.000000e+00 : f32
      %swap3A_526 = arith.constant 1 : index
      %swap3A_527 = arith.constant 1 : index
      %swap3A_528 = arith.constant 0 : index
      %swap3A_529 = memref.load %arg4[%swap3A_526, %swap3A_527, %swap3A_528] : memref<2x5x5xf32, #tpu.memory_space<smem>>
      memref.store %swap3A_525, %arg4[%swap3A_526, %swap3A_527, %swap3A_528] : memref<2x5x5xf32, #tpu.memory_space<smem>>
      %swap3A_530 = arith.constant 0.000000e+00 : f32
      %swap3A_531 = arith.constant 1 : index
      %swap3A_532 = arith.constant 1 : index
      %swap3A_533 = arith.constant 1 : index
      %swap3A_534 = memref.load %arg4[%swap3A_531, %swap3A_532, %swap3A_533] : memref<2x5x5xf32, #tpu.memory_space<smem>>
      memref.store %swap3A_530, %arg4[%swap3A_531, %swap3A_532, %swap3A_533] : memref<2x5x5xf32, #tpu.memory_space<smem>>
      %swap3A_535 = arith.constant 0.000000e+00 : f32
      %swap3A_536 = arith.constant 1 : index
      %swap3A_537 = arith.constant 1 : index
      %swap3A_538 = arith.constant 2 : index
      %swap3A_539 = memref.load %arg4[%swap3A_536, %swap3A_537, %swap3A_538] : memref<2x5x5xf32, #tpu.memory_space<smem>>
      memref.store %swap3A_535, %arg4[%swap3A_536, %swap3A_537, %swap3A_538] : memref<2x5x5xf32, #tpu.memory_space<smem>>
      %swap3A_540 = arith.constant 0.000000e+00 : f32
      %swap3A_541 = arith.constant 1 : index
      %swap3A_542 = arith.constant 1 : index
      %swap3A_543 = arith.constant 3 : index
      %swap3A_544 = memref.load %arg4[%swap3A_541, %swap3A_542, %swap3A_543] : memref<2x5x5xf32, #tpu.memory_space<smem>>
      memref.store %swap3A_540, %arg4[%swap3A_541, %swap3A_542, %swap3A_543] : memref<2x5x5xf32, #tpu.memory_space<smem>>
      %swap3A_545 = arith.constant 0.000000e+00 : f32
      %swap3A_546 = arith.constant 1 : index
      %swap3A_547 = arith.constant 1 : index
      %swap3A_548 = arith.constant 4 : index
      %swap3A_549 = memref.load %arg4[%swap3A_546, %swap3A_547, %swap3A_548] : memref<2x5x5xf32, #tpu.memory_space<smem>>
      memref.store %swap3A_545, %arg4[%swap3A_546, %swap3A_547, %swap3A_548] : memref<2x5x5xf32, #tpu.memory_space<smem>>
      %swap3A_550 = arith.constant 0.000000e+00 : f32
      %swap3A_551 = arith.constant 1 : index
      %swap3A_552 = arith.constant 2 : index
      %swap3A_553 = arith.constant 0 : index
      %swap3A_554 = memref.load %arg4[%swap3A_551, %swap3A_552, %swap3A_553] : memref<2x5x5xf32, #tpu.memory_space<smem>>
      memref.store %swap3A_550, %arg4[%swap3A_551, %swap3A_552, %swap3A_553] : memref<2x5x5xf32, #tpu.memory_space<smem>>
      %swap3A_555 = arith.constant 0.000000e+00 : f32
      %swap3A_556 = arith.constant 1 : index
      %swap3A_557 = arith.constant 2 : index
      %swap3A_558 = arith.constant 1 : index
      %swap3A_559 = memref.load %arg4[%swap3A_556, %swap3A_557, %swap3A_558] : memref<2x5x5xf32, #tpu.memory_space<smem>>
      memref.store %swap3A_555, %arg4[%swap3A_556, %swap3A_557, %swap3A_558] : memref<2x5x5xf32, #tpu.memory_space<smem>>
      %swap3A_560 = arith.constant 0.000000e+00 : f32
      %swap3A_561 = arith.constant 1 : index
      %swap3A_562 = arith.constant 2 : index
      %swap3A_563 = arith.constant 2 : index
      %swap3A_564 = memref.load %arg4[%swap3A_561, %swap3A_562, %swap3A_563] : memref<2x5x5xf32, #tpu.memory_space<smem>>
      memref.store %swap3A_560, %arg4[%swap3A_561, %swap3A_562, %swap3A_563] : memref<2x5x5xf32, #tpu.memory_space<smem>>
      %swap3A_565 = arith.constant 0.000000e+00 : f32
      %swap3A_566 = arith.constant 1 : index
      %swap3A_567 = arith.constant 2 : index
      %swap3A_568 = arith.constant 3 : index
      %swap3A_569 = memref.load %arg4[%swap3A_566, %swap3A_567, %swap3A_568] : memref<2x5x5xf32, #tpu.memory_space<smem>>
      memref.store %swap3A_565, %arg4[%swap3A_566, %swap3A_567, %swap3A_568] : memref<2x5x5xf32, #tpu.memory_space<smem>>
      %swap3A_570 = arith.constant 0.000000e+00 : f32
      %swap3A_571 = arith.constant 1 : index
      %swap3A_572 = arith.constant 2 : index
      %swap3A_573 = arith.constant 4 : index
      %swap3A_574 = memref.load %arg4[%swap3A_571, %swap3A_572, %swap3A_573] : memref<2x5x5xf32, #tpu.memory_space<smem>>
      memref.store %swap3A_570, %arg4[%swap3A_571, %swap3A_572, %swap3A_573] : memref<2x5x5xf32, #tpu.memory_space<smem>>
      %swap3A_575 = arith.constant 0.000000e+00 : f32
      %swap3A_576 = arith.constant 1 : index
      %swap3A_577 = arith.constant 3 : index
      %swap3A_578 = arith.constant 0 : index
      %swap3A_579 = memref.load %arg4[%swap3A_576, %swap3A_577, %swap3A_578] : memref<2x5x5xf32, #tpu.memory_space<smem>>
      memref.store %swap3A_575, %arg4[%swap3A_576, %swap3A_577, %swap3A_578] : memref<2x5x5xf32, #tpu.memory_space<smem>>
      %swap3A_580 = arith.constant 0.000000e+00 : f32
      %swap3A_581 = arith.constant 1 : index
      %swap3A_582 = arith.constant 3 : index
      %swap3A_583 = arith.constant 1 : index
      %swap3A_584 = memref.load %arg4[%swap3A_581, %swap3A_582, %swap3A_583] : memref<2x5x5xf32, #tpu.memory_space<smem>>
      memref.store %swap3A_580, %arg4[%swap3A_581, %swap3A_582, %swap3A_583] : memref<2x5x5xf32, #tpu.memory_space<smem>>
      %swap3A_585 = arith.constant 0.000000e+00 : f32
      %swap3A_586 = arith.constant 1 : index
      %swap3A_587 = arith.constant 3 : index
      %swap3A_588 = arith.constant 2 : index
      %swap3A_589 = memref.load %arg4[%swap3A_586, %swap3A_587, %swap3A_588] : memref<2x5x5xf32, #tpu.memory_space<smem>>
      memref.store %swap3A_585, %arg4[%swap3A_586, %swap3A_587, %swap3A_588] : memref<2x5x5xf32, #tpu.memory_space<smem>>
      %swap3A_590 = arith.constant 0.000000e+00 : f32
      %swap3A_591 = arith.constant 1 : index
      %swap3A_592 = arith.constant 3 : index
      %swap3A_593 = arith.constant 3 : index
      %swap3A_594 = memref.load %arg4[%swap3A_591, %swap3A_592, %swap3A_593] : memref<2x5x5xf32, #tpu.memory_space<smem>>
      memref.store %swap3A_590, %arg4[%swap3A_591, %swap3A_592, %swap3A_593] : memref<2x5x5xf32, #tpu.memory_space<smem>>
      %swap3A_595 = arith.constant 0.000000e+00 : f32
      %swap3A_596 = arith.constant 1 : index
      %swap3A_597 = arith.constant 3 : index
      %swap3A_598 = arith.constant 4 : index
      %swap3A_599 = memref.load %arg4[%swap3A_596, %swap3A_597, %swap3A_598] : memref<2x5x5xf32, #tpu.memory_space<smem>>
      memref.store %swap3A_595, %arg4[%swap3A_596, %swap3A_597, %swap3A_598] : memref<2x5x5xf32, #tpu.memory_space<smem>>
      %swap3A_600 = arith.constant 0.000000e+00 : f32
      %swap3A_601 = arith.constant 1 : index
      %swap3A_602 = arith.constant 4 : index
      %swap3A_603 = arith.constant 0 : index
      %swap3A_604 = memref.load %arg4[%swap3A_601, %swap3A_602, %swap3A_603] : memref<2x5x5xf32, #tpu.memory_space<smem>>
      memref.store %swap3A_600, %arg4[%swap3A_601, %swap3A_602, %swap3A_603] : memref<2x5x5xf32, #tpu.memory_space<smem>>
      %swap3A_605 = arith.constant 0.000000e+00 : f32
      %swap3A_606 = arith.constant 1 : index
      %swap3A_607 = arith.constant 4 : index
      %swap3A_608 = arith.constant 1 : index
      %swap3A_609 = memref.load %arg4[%swap3A_606, %swap3A_607, %swap3A_608] : memref<2x5x5xf32, #tpu.memory_space<smem>>
      memref.store %swap3A_605, %arg4[%swap3A_606, %swap3A_607, %swap3A_608] : memref<2x5x5xf32, #tpu.memory_space<smem>>
      %swap3A_610 = arith.constant 0.000000e+00 : f32
      %swap3A_611 = arith.constant 1 : index
      %swap3A_612 = arith.constant 4 : index
      %swap3A_613 = arith.constant 2 : index
      %swap3A_614 = memref.load %arg4[%swap3A_611, %swap3A_612, %swap3A_613] : memref<2x5x5xf32, #tpu.memory_space<smem>>
      memref.store %swap3A_610, %arg4[%swap3A_611, %swap3A_612, %swap3A_613] : memref<2x5x5xf32, #tpu.memory_space<smem>>
      %swap3A_615 = arith.constant 0.000000e+00 : f32
      %swap3A_616 = arith.constant 1 : index
      %swap3A_617 = arith.constant 4 : index
      %swap3A_618 = arith.constant 3 : index
      %swap3A_619 = memref.load %arg4[%swap3A_616, %swap3A_617, %swap3A_618] : memref<2x5x5xf32, #tpu.memory_space<smem>>
      memref.store %swap3A_615, %arg4[%swap3A_616, %swap3A_617, %swap3A_618] : memref<2x5x5xf32, #tpu.memory_space<smem>>
      %swap3A_620 = arith.constant 0.000000e+00 : f32
      %swap3A_621 = arith.constant 1 : index
      %swap3A_622 = arith.constant 4 : index
      %swap3A_623 = arith.constant 4 : index
      %swap3A_624 = memref.load %arg4[%swap3A_621, %swap3A_622, %swap3A_623] : memref<2x5x5xf32, #tpu.memory_space<smem>>
      memref.store %swap3A_620, %arg4[%swap3A_621, %swap3A_622, %swap3A_623] : memref<2x5x5xf32, #tpu.memory_space<smem>>
    } else {
    }
    %get3A = arith.constant 0 : index
    %get3A_4 = arith.constant 0 : index
    %get3A_5 = arith.constant 0 : index
    %get3A_6 = arith.constant 0 : index
    %get3A_7 = vector.load %arg3[%get3A, %get3A_4, %get3A_5, %get3A_6] : memref<1x1x128x512xi32, #tpu.memory_space<vmem>>, vector<1x1x128x512xi32>
    %get3A_8 = vector.shape_cast %get3A_7 : vector<1x1x128x512xi32> to vector<128x512xi32>
    %eq3A_9 = arith.constant 1 : i32
    %eq3A_10 = vector.broadcast %eq3A_9 : i32 to vector<128x512xi32>
    %eq3A_11 = arith.cmpi eq, %get3A_8, %eq3A_10 : vector<128x512xi32>
    %eq3A_12 = arith.constant 2 : i32
    %eq3A_13 = vector.broadcast %eq3A_12 : i32 to vector<128x512xi32>
    %eq3A_14 = arith.cmpi eq, %get3A_8, %eq3A_13 : vector<128x512xi32>
    %eq3A_15 = arith.constant 3 : i32
    %eq3A_16 = vector.broadcast %eq3A_15 : i32 to vector<128x512xi32>
    %eq3A_17 = arith.cmpi eq, %get3A_8, %eq3A_16 : vector<128x512xi32>
    %eq3A_18 = arith.constant 4 : i32
    %eq3A_19 = vector.broadcast %eq3A_18 : i32 to vector<128x512xi32>
    %eq3A_20 = arith.cmpi eq, %get3A_8, %eq3A_19 : vector<128x512xi32>
    %get3A_21 = arith.index_cast %arg0 : i32 to index
    %get3A_22 = arith.constant 0 : index
    %get3A_23 = arith.constant 1 : index
    %get3A_24 = memref.load %arg4[%get3A_21, %get3A_22, %get3A_23] : memref<2x5x5xf32, #tpu.memory_space<smem>>
    %convert_element_type3A_25 = arith.extui %eq3A_11 : vector<128x512xi1> to vector<128x512xi32>
    %convert_element_type3A_26 = arith.sitofp %convert_element_type3A_25 : vector<128x512xi32> to vector<128x512xf32>
    %reduce_sum3A = vector.shape_cast %convert_element_type3A_26 : vector<128x512xf32> to vector<1x128x512xf32>
    %reduce_sum3A_27 = arith.constant dense<0.000000e+00> : vector<1xf32>
    %reduce_sum3A_28 = vector.multi_reduction <add>, %reduce_sum3A, %reduce_sum3A_27 [1, 2] : vector<1x128x512xf32> to vector<1xf32>
    %reduce_sum3A_29 = vector.shape_cast %reduce_sum3A_28 : vector<1xf32> to vector<1x1x1xf32>
    %reduce_sum3A_30 = vector.extract %reduce_sum3A_29[0, 0, 0] : f32 from vector<1x1x1xf32>
    %add3A = arith.addf %get3A_24, %reduce_sum3A_30 : f32
    %swap3A = arith.index_cast %arg0 : i32 to index
    %swap3A_31 = arith.constant 0 : index
    %swap3A_32 = arith.constant 1 : index
    %swap3A_33 = memref.load %arg4[%swap3A, %swap3A_31, %swap3A_32] : memref<2x5x5xf32, #tpu.memory_space<smem>>
    memref.store %add3A, %arg4[%swap3A, %swap3A_31, %swap3A_32] : memref<2x5x5xf32, #tpu.memory_space<smem>>
    %get3A_34 = arith.index_cast %arg0 : i32 to index
    %get3A_35 = arith.constant 0 : index
    %get3A_36 = arith.constant 2 : index
    %get3A_37 = memref.load %arg4[%get3A_34, %get3A_35, %get3A_36] : memref<2x5x5xf32, #tpu.memory_space<smem>>
    %convert_element_type3A_38 = arith.extui %eq3A_14 : vector<128x512xi1> to vector<128x512xi32>
    %convert_element_type3A_39 = arith.sitofp %convert_element_type3A_38 : vector<128x512xi32> to vector<128x512xf32>
    %reduce_sum3A_40 = vector.shape_cast %convert_element_type3A_39 : vector<128x512xf32> to vector<1x128x512xf32>
    %reduce_sum3A_41 = arith.constant dense<0.000000e+00> : vector<1xf32>
    %reduce_sum3A_42 = vector.multi_reduction <add>, %reduce_sum3A_40, %reduce_sum3A_41 [1, 2] : vector<1x128x512xf32> to vector<1xf32>
    %reduce_sum3A_43 = vector.shape_cast %reduce_sum3A_42 : vector<1xf32> to vector<1x1x1xf32>
    %reduce_sum3A_44 = vector.extract %reduce_sum3A_43[0, 0, 0] : f32 from vector<1x1x1xf32>
    %add3A_45 = arith.addf %get3A_37, %reduce_sum3A_44 : f32
    %swap3A_46 = arith.index_cast %arg0 : i32 to index
    %swap3A_47 = arith.constant 0 : index
    %swap3A_48 = arith.constant 2 : index
    %swap3A_49 = memref.load %arg4[%swap3A_46, %swap3A_47, %swap3A_48] : memref<2x5x5xf32, #tpu.memory_space<smem>>
    memref.store %add3A_45, %arg4[%swap3A_46, %swap3A_47, %swap3A_48] : memref<2x5x5xf32, #tpu.memory_space<smem>>
    %get3A_50 = arith.index_cast %arg0 : i32 to index
    %get3A_51 = arith.constant 0 : index
    %get3A_52 = arith.constant 3 : index
    %get3A_53 = memref.load %arg4[%get3A_50, %get3A_51, %get3A_52] : memref<2x5x5xf32, #tpu.memory_space<smem>>
    %convert_element_type3A_54 = arith.extui %eq3A_17 : vector<128x512xi1> to vector<128x512xi32>
    %convert_element_type3A_55 = arith.sitofp %convert_element_type3A_54 : vector<128x512xi32> to vector<128x512xf32>
    %reduce_sum3A_56 = vector.shape_cast %convert_element_type3A_55 : vector<128x512xf32> to vector<1x128x512xf32>
    %reduce_sum3A_57 = arith.constant dense<0.000000e+00> : vector<1xf32>
    %reduce_sum3A_58 = vector.multi_reduction <add>, %reduce_sum3A_56, %reduce_sum3A_57 [1, 2] : vector<1x128x512xf32> to vector<1xf32>
    %reduce_sum3A_59 = vector.shape_cast %reduce_sum3A_58 : vector<1xf32> to vector<1x1x1xf32>
    %reduce_sum3A_60 = vector.extract %reduce_sum3A_59[0, 0, 0] : f32 from vector<1x1x1xf32>
    %add3A_61 = arith.addf %get3A_53, %reduce_sum3A_60 : f32
    %swap3A_62 = arith.index_cast %arg0 : i32 to index
    %swap3A_63 = arith.constant 0 : index
    %swap3A_64 = arith.constant 3 : index
    %swap3A_65 = memref.load %arg4[%swap3A_62, %swap3A_63, %swap3A_64] : memref<2x5x5xf32, #tpu.memory_space<smem>>
    memref.store %add3A_61, %arg4[%swap3A_62, %swap3A_63, %swap3A_64] : memref<2x5x5xf32, #tpu.memory_space<smem>>
    %get3A_66 = arith.index_cast %arg0 : i32 to index
    %get3A_67 = arith.constant 0 : index
    %get3A_68 = arith.constant 4 : index
    %get3A_69 = memref.load %arg4[%get3A_66, %get3A_67, %get3A_68] : memref<2x5x5xf32, #tpu.memory_space<smem>>
    %convert_element_type3A_70 = arith.extui %eq3A_20 : vector<128x512xi1> to vector<128x512xi32>
    %convert_element_type3A_71 = arith.sitofp %convert_element_type3A_70 : vector<128x512xi32> to vector<128x512xf32>
    %reduce_sum3A_72 = vector.shape_cast %convert_element_type3A_71 : vector<128x512xf32> to vector<1x128x512xf32>
    %reduce_sum3A_73 = arith.constant dense<0.000000e+00> : vector<1xf32>
    %reduce_sum3A_74 = vector.multi_reduction <add>, %reduce_sum3A_72, %reduce_sum3A_73 [1, 2] : vector<1x128x512xf32> to vector<1xf32>
    %reduce_sum3A_75 = vector.shape_cast %reduce_sum3A_74 : vector<1xf32> to vector<1x1x1xf32>
    %reduce_sum3A_76 = vector.extract %reduce_sum3A_75[0, 0, 0] : f32 from vector<1x1x1xf32>
    %add3A_77 = arith.addf %get3A_69, %reduce_sum3A_76 : f32
    %swap3A_78 = arith.index_cast %arg0 : i32 to index
    %swap3A_79 = arith.constant 0 : index
    %swap3A_80 = arith.constant 4 : index
    %swap3A_81 = memref.load %arg4[%swap3A_78, %swap3A_79, %swap3A_80] : memref<2x5x5xf32, #tpu.memory_space<smem>>
    memref.store %add3A_77, %arg4[%swap3A_78, %swap3A_79, %swap3A_80] : memref<2x5x5xf32, #tpu.memory_space<smem>>
    %get3A_82 = arith.constant 0 : index
    %get3A_83 = arith.constant 0 : index
    %get3A_84 = arith.constant 0 : index
    %get3A_85 = arith.constant 0 : index
    %get3A_86 = vector.load %arg2[%get3A_82, %get3A_83, %get3A_84, %get3A_85] : memref<1x4x128x512xf32, #tpu.memory_space<vmem>>, vector<1x1x128x512xf32>
    %get3A_87 = vector.shape_cast %get3A_86 : vector<1x1x128x512xf32> to vector<128x512xf32>
    %get3A_88 = arith.index_cast %arg0 : i32 to index
    %get3A_89 = arith.constant 1 : index
    %get3A_90 = arith.constant 1 : index
    %get3A_91 = memref.load %arg4[%get3A_88, %get3A_89, %get3A_90] : memref<2x5x5xf32, #tpu.memory_space<smem>>
    %jit3A = arith.constant 0.000000e+00 : f32
    %broadcast_in_dim3A = vector.broadcast %jit3A : f32 to vector<128x512xf32>
    %select_n3A = arith.select %eq3A_11, %get3A_87, %broadcast_in_dim3A : vector<128x512xi1>, vector<128x512xf32>
    %reduce_sum3A_92 = vector.shape_cast %select_n3A : vector<128x512xf32> to vector<1x128x512xf32>
    %reduce_sum3A_93 = arith.constant dense<0.000000e+00> : vector<1xf32>
    %reduce_sum3A_94 = vector.multi_reduction <add>, %reduce_sum3A_92, %reduce_sum3A_93 [1, 2] : vector<1x128x512xf32> to vector<1xf32>
    %reduce_sum3A_95 = vector.shape_cast %reduce_sum3A_94 : vector<1xf32> to vector<1x1x1xf32>
    %reduce_sum3A_96 = vector.extract %reduce_sum3A_95[0, 0, 0] : f32 from vector<1x1x1xf32>
    %add3A_97 = arith.addf %get3A_91, %reduce_sum3A_96 : f32
    %swap3A_98 = arith.index_cast %arg0 : i32 to index
    %swap3A_99 = arith.constant 1 : index
    %swap3A_100 = arith.constant 1 : index
    %swap3A_101 = memref.load %arg4[%swap3A_98, %swap3A_99, %swap3A_100] : memref<2x5x5xf32, #tpu.memory_space<smem>>
    memref.store %add3A_97, %arg4[%swap3A_98, %swap3A_99, %swap3A_100] : memref<2x5x5xf32, #tpu.memory_space<smem>>
    %get3A_102 = arith.index_cast %arg0 : i32 to index
    %get3A_103 = arith.constant 1 : index
    %get3A_104 = arith.constant 2 : index
    %get3A_105 = memref.load %arg4[%get3A_102, %get3A_103, %get3A_104] : memref<2x5x5xf32, #tpu.memory_space<smem>>
    %jit3A_106 = arith.constant 0.000000e+00 : f32
    %broadcast_in_dim3A_107 = vector.broadcast %jit3A_106 : f32 to vector<128x512xf32>
    %select_n3A_108 = arith.select %eq3A_14, %get3A_87, %broadcast_in_dim3A_107 : vector<128x512xi1>, vector<128x512xf32>
    %reduce_sum3A_109 = vector.shape_cast %select_n3A_108 : vector<128x512xf32> to vector<1x128x512xf32>
    %reduce_sum3A_110 = arith.constant dense<0.000000e+00> : vector<1xf32>
    %reduce_sum3A_111 = vector.multi_reduction <add>, %reduce_sum3A_109, %reduce_sum3A_110 [1, 2] : vector<1x128x512xf32> to vector<1xf32>
    %reduce_sum3A_112 = vector.shape_cast %reduce_sum3A_111 : vector<1xf32> to vector<1x1x1xf32>
    %reduce_sum3A_113 = vector.extract %reduce_sum3A_112[0, 0, 0] : f32 from vector<1x1x1xf32>
    %add3A_114 = arith.addf %get3A_105, %reduce_sum3A_113 : f32
    %swap3A_115 = arith.index_cast %arg0 : i32 to index
    %swap3A_116 = arith.constant 1 : index
    %swap3A_117 = arith.constant 2 : index
    %swap3A_118 = memref.load %arg4[%swap3A_115, %swap3A_116, %swap3A_117] : memref<2x5x5xf32, #tpu.memory_space<smem>>
    memref.store %add3A_114, %arg4[%swap3A_115, %swap3A_116, %swap3A_117] : memref<2x5x5xf32, #tpu.memory_space<smem>>
    %get3A_119 = arith.index_cast %arg0 : i32 to index
    %get3A_120 = arith.constant 1 : index
    %get3A_121 = arith.constant 3 : index
    %get3A_122 = memref.load %arg4[%get3A_119, %get3A_120, %get3A_121] : memref<2x5x5xf32, #tpu.memory_space<smem>>
    %jit3A_123 = arith.constant 0.000000e+00 : f32
    %broadcast_in_dim3A_124 = vector.broadcast %jit3A_123 : f32 to vector<128x512xf32>
    %select_n3A_125 = arith.select %eq3A_17, %get3A_87, %broadcast_in_dim3A_124 : vector<128x512xi1>, vector<128x512xf32>
    %reduce_sum3A_126 = vector.shape_cast %select_n3A_125 : vector<128x512xf32> to vector<1x128x512xf32>
    %reduce_sum3A_127 = arith.constant dense<0.000000e+00> : vector<1xf32>
    %reduce_sum3A_128 = vector.multi_reduction <add>, %reduce_sum3A_126, %reduce_sum3A_127 [1, 2] : vector<1x128x512xf32> to vector<1xf32>
    %reduce_sum3A_129 = vector.shape_cast %reduce_sum3A_128 : vector<1xf32> to vector<1x1x1xf32>
    %reduce_sum3A_130 = vector.extract %reduce_sum3A_129[0, 0, 0] : f32 from vector<1x1x1xf32>
    %add3A_131 = arith.addf %get3A_122, %reduce_sum3A_130 : f32
    %swap3A_132 = arith.index_cast %arg0 : i32 to index
    %swap3A_133 = arith.constant 1 : index
    %swap3A_134 = arith.constant 3 : index
    %swap3A_135 = memref.load %arg4[%swap3A_132, %swap3A_133, %swap3A_134] : memref<2x5x5xf32, #tpu.memory_space<smem>>
    memref.store %add3A_131, %arg4[%swap3A_132, %swap3A_133, %swap3A_134] : memref<2x5x5xf32, #tpu.memory_space<smem>>
    %get3A_136 = arith.index_cast %arg0 : i32 to index
    %get3A_137 = arith.constant 1 : index
    %get3A_138 = arith.constant 4 : index
    %get3A_139 = memref.load %arg4[%get3A_136, %get3A_137, %get3A_138] : memref<2x5x5xf32, #tpu.memory_space<smem>>
    %jit3A_140 = arith.constant 0.000000e+00 : f32
    %broadcast_in_dim3A_141 = vector.broadcast %jit3A_140 : f32 to vector<128x512xf32>
    %select_n3A_142 = arith.select %eq3A_20, %get3A_87, %broadcast_in_dim3A_141 : vector<128x512xi1>, vector<128x512xf32>
    %reduce_sum3A_143 = vector.shape_cast %select_n3A_142 : vector<128x512xf32> to vector<1x128x512xf32>
    %reduce_sum3A_144 = arith.constant dense<0.000000e+00> : vector<1xf32>
    %reduce_sum3A_145 = vector.multi_reduction <add>, %reduce_sum3A_143, %reduce_sum3A_144 [1, 2] : vector<1x128x512xf32> to vector<1xf32>
    %reduce_sum3A_146 = vector.shape_cast %reduce_sum3A_145 : vector<1xf32> to vector<1x1x1xf32>
    %reduce_sum3A_147 = vector.extract %reduce_sum3A_146[0, 0, 0] : f32 from vector<1x1x1xf32>
    %add3A_148 = arith.addf %get3A_139, %reduce_sum3A_147 : f32
    %swap3A_149 = arith.index_cast %arg0 : i32 to index
    %swap3A_150 = arith.constant 1 : index
    %swap3A_151 = arith.constant 4 : index
    %swap3A_152 = memref.load %arg4[%swap3A_149, %swap3A_150, %swap3A_151] : memref<2x5x5xf32, #tpu.memory_space<smem>>
    memref.store %add3A_148, %arg4[%swap3A_149, %swap3A_150, %swap3A_151] : memref<2x5x5xf32, #tpu.memory_space<smem>>
    %get3A_153 = arith.constant 0 : index
    %get3A_154 = arith.constant 1 : index
    %get3A_155 = arith.constant 0 : index
    %get3A_156 = arith.constant 0 : index
    %get3A_157 = vector.load %arg2[%get3A_153, %get3A_154, %get3A_155, %get3A_156] : memref<1x4x128x512xf32, #tpu.memory_space<vmem>>, vector<1x1x128x512xf32>
    %get3A_158 = vector.shape_cast %get3A_157 : vector<1x1x128x512xf32> to vector<128x512xf32>
    %get3A_159 = arith.index_cast %arg0 : i32 to index
    %get3A_160 = arith.constant 2 : index
    %get3A_161 = arith.constant 1 : index
    %get3A_162 = memref.load %arg4[%get3A_159, %get3A_160, %get3A_161] : memref<2x5x5xf32, #tpu.memory_space<smem>>
    %jit3A_163 = arith.constant 0.000000e+00 : f32
    %broadcast_in_dim3A_164 = vector.broadcast %jit3A_163 : f32 to vector<128x512xf32>
    %select_n3A_165 = arith.select %eq3A_11, %get3A_158, %broadcast_in_dim3A_164 : vector<128x512xi1>, vector<128x512xf32>
    %reduce_sum3A_166 = vector.shape_cast %select_n3A_165 : vector<128x512xf32> to vector<1x128x512xf32>
    %reduce_sum3A_167 = arith.constant dense<0.000000e+00> : vector<1xf32>
    %reduce_sum3A_168 = vector.multi_reduction <add>, %reduce_sum3A_166, %reduce_sum3A_167 [1, 2] : vector<1x128x512xf32> to vector<1xf32>
    %reduce_sum3A_169 = vector.shape_cast %reduce_sum3A_168 : vector<1xf32> to vector<1x1x1xf32>
    %reduce_sum3A_170 = vector.extract %reduce_sum3A_169[0, 0, 0] : f32 from vector<1x1x1xf32>
    %add3A_171 = arith.addf %get3A_162, %reduce_sum3A_170 : f32
    %swap3A_172 = arith.index_cast %arg0 : i32 to index
    %swap3A_173 = arith.constant 2 : index
    %swap3A_174 = arith.constant 1 : index
    %swap3A_175 = memref.load %arg4[%swap3A_172, %swap3A_173, %swap3A_174] : memref<2x5x5xf32, #tpu.memory_space<smem>>
    memref.store %add3A_171, %arg4[%swap3A_172, %swap3A_173, %swap3A_174] : memref<2x5x5xf32, #tpu.memory_space<smem>>
    %get3A_176 = arith.index_cast %arg0 : i32 to index
    %get3A_177 = arith.constant 2 : index
    %get3A_178 = arith.constant 2 : index
    %get3A_179 = memref.load %arg4[%get3A_176, %get3A_177, %get3A_178] : memref<2x5x5xf32, #tpu.memory_space<smem>>
    %jit3A_180 = arith.constant 0.000000e+00 : f32
    %broadcast_in_dim3A_181 = vector.broadcast %jit3A_180 : f32 to vector<128x512xf32>
    %select_n3A_182 = arith.select %eq3A_14, %get3A_158, %broadcast_in_dim3A_181 : vector<128x512xi1>, vector<128x512xf32>
    %reduce_sum3A_183 = vector.shape_cast %select_n3A_182 : vector<128x512xf32> to vector<1x128x512xf32>
    %reduce_sum3A_184 = arith.constant dense<0.000000e+00> : vector<1xf32>
    %reduce_sum3A_185 = vector.multi_reduction <add>, %reduce_sum3A_183, %reduce_sum3A_184 [1, 2] : vector<1x128x512xf32> to vector<1xf32>
    %reduce_sum3A_186 = vector.shape_cast %reduce_sum3A_185 : vector<1xf32> to vector<1x1x1xf32>
    %reduce_sum3A_187 = vector.extract %reduce_sum3A_186[0, 0, 0] : f32 from vector<1x1x1xf32>
    %add3A_188 = arith.addf %get3A_179, %reduce_sum3A_187 : f32
    %swap3A_189 = arith.index_cast %arg0 : i32 to index
    %swap3A_190 = arith.constant 2 : index
    %swap3A_191 = arith.constant 2 : index
    %swap3A_192 = memref.load %arg4[%swap3A_189, %swap3A_190, %swap3A_191] : memref<2x5x5xf32, #tpu.memory_space<smem>>
    memref.store %add3A_188, %arg4[%swap3A_189, %swap3A_190, %swap3A_191] : memref<2x5x5xf32, #tpu.memory_space<smem>>
    %get3A_193 = arith.index_cast %arg0 : i32 to index
    %get3A_194 = arith.constant 2 : index
    %get3A_195 = arith.constant 3 : index
    %get3A_196 = memref.load %arg4[%get3A_193, %get3A_194, %get3A_195] : memref<2x5x5xf32, #tpu.memory_space<smem>>
    %jit3A_197 = arith.constant 0.000000e+00 : f32
    %broadcast_in_dim3A_198 = vector.broadcast %jit3A_197 : f32 to vector<128x512xf32>
    %select_n3A_199 = arith.select %eq3A_17, %get3A_158, %broadcast_in_dim3A_198 : vector<128x512xi1>, vector<128x512xf32>
    %reduce_sum3A_200 = vector.shape_cast %select_n3A_199 : vector<128x512xf32> to vector<1x128x512xf32>
    %reduce_sum3A_201 = arith.constant dense<0.000000e+00> : vector<1xf32>
    %reduce_sum3A_202 = vector.multi_reduction <add>, %reduce_sum3A_200, %reduce_sum3A_201 [1, 2] : vector<1x128x512xf32> to vector<1xf32>
    %reduce_sum3A_203 = vector.shape_cast %reduce_sum3A_202 : vector<1xf32> to vector<1x1x1xf32>
    %reduce_sum3A_204 = vector.extract %reduce_sum3A_203[0, 0, 0] : f32 from vector<1x1x1xf32>
    %add3A_205 = arith.addf %get3A_196, %reduce_sum3A_204 : f32
    %swap3A_206 = arith.index_cast %arg0 : i32 to index
    %swap3A_207 = arith.constant 2 : index
    %swap3A_208 = arith.constant 3 : index
    %swap3A_209 = memref.load %arg4[%swap3A_206, %swap3A_207, %swap3A_208] : memref<2x5x5xf32, #tpu.memory_space<smem>>
    memref.store %add3A_205, %arg4[%swap3A_206, %swap3A_207, %swap3A_208] : memref<2x5x5xf32, #tpu.memory_space<smem>>
    %get3A_210 = arith.index_cast %arg0 : i32 to index
    %get3A_211 = arith.constant 2 : index
    %get3A_212 = arith.constant 4 : index
    %get3A_213 = memref.load %arg4[%get3A_210, %get3A_211, %get3A_212] : memref<2x5x5xf32, #tpu.memory_space<smem>>
    %jit3A_214 = arith.constant 0.000000e+00 : f32
    %broadcast_in_dim3A_215 = vector.broadcast %jit3A_214 : f32 to vector<128x512xf32>
    %select_n3A_216 = arith.select %eq3A_20, %get3A_158, %broadcast_in_dim3A_215 : vector<128x512xi1>, vector<128x512xf32>
    %reduce_sum3A_217 = vector.shape_cast %select_n3A_216 : vector<128x512xf32> to vector<1x128x512xf32>
    %reduce_sum3A_218 = arith.constant dense<0.000000e+00> : vector<1xf32>
    %reduce_sum3A_219 = vector.multi_reduction <add>, %reduce_sum3A_217, %reduce_sum3A_218 [1, 2] : vector<1x128x512xf32> to vector<1xf32>
    %reduce_sum3A_220 = vector.shape_cast %reduce_sum3A_219 : vector<1xf32> to vector<1x1x1xf32>
    %reduce_sum3A_221 = vector.extract %reduce_sum3A_220[0, 0, 0] : f32 from vector<1x1x1xf32>
    %add3A_222 = arith.addf %get3A_213, %reduce_sum3A_221 : f32
    %swap3A_223 = arith.index_cast %arg0 : i32 to index
    %swap3A_224 = arith.constant 2 : index
    %swap3A_225 = arith.constant 4 : index
    %swap3A_226 = memref.load %arg4[%swap3A_223, %swap3A_224, %swap3A_225] : memref<2x5x5xf32, #tpu.memory_space<smem>>
    memref.store %add3A_222, %arg4[%swap3A_223, %swap3A_224, %swap3A_225] : memref<2x5x5xf32, #tpu.memory_space<smem>>
    %get3A_227 = arith.constant 0 : index
    %get3A_228 = arith.constant 2 : index
    %get3A_229 = arith.constant 0 : index
    %get3A_230 = arith.constant 0 : index
    %get3A_231 = vector.load %arg2[%get3A_227, %get3A_228, %get3A_229, %get3A_230] : memref<1x4x128x512xf32, #tpu.memory_space<vmem>>, vector<1x1x128x512xf32>
    %get3A_232 = vector.shape_cast %get3A_231 : vector<1x1x128x512xf32> to vector<128x512xf32>
    %get3A_233 = arith.index_cast %arg0 : i32 to index
    %get3A_234 = arith.constant 3 : index
    %get3A_235 = arith.constant 1 : index
    %get3A_236 = memref.load %arg4[%get3A_233, %get3A_234, %get3A_235] : memref<2x5x5xf32, #tpu.memory_space<smem>>
    %jit3A_237 = arith.constant 0.000000e+00 : f32
    %broadcast_in_dim3A_238 = vector.broadcast %jit3A_237 : f32 to vector<128x512xf32>
    %select_n3A_239 = arith.select %eq3A_11, %get3A_232, %broadcast_in_dim3A_238 : vector<128x512xi1>, vector<128x512xf32>
    %reduce_sum3A_240 = vector.shape_cast %select_n3A_239 : vector<128x512xf32> to vector<1x128x512xf32>
    %reduce_sum3A_241 = arith.constant dense<0.000000e+00> : vector<1xf32>
    %reduce_sum3A_242 = vector.multi_reduction <add>, %reduce_sum3A_240, %reduce_sum3A_241 [1, 2] : vector<1x128x512xf32> to vector<1xf32>
    %reduce_sum3A_243 = vector.shape_cast %reduce_sum3A_242 : vector<1xf32> to vector<1x1x1xf32>
    %reduce_sum3A_244 = vector.extract %reduce_sum3A_243[0, 0, 0] : f32 from vector<1x1x1xf32>
    %add3A_245 = arith.addf %get3A_236, %reduce_sum3A_244 : f32
    %swap3A_246 = arith.index_cast %arg0 : i32 to index
    %swap3A_247 = arith.constant 3 : index
    %swap3A_248 = arith.constant 1 : index
    %swap3A_249 = memref.load %arg4[%swap3A_246, %swap3A_247, %swap3A_248] : memref<2x5x5xf32, #tpu.memory_space<smem>>
    memref.store %add3A_245, %arg4[%swap3A_246, %swap3A_247, %swap3A_248] : memref<2x5x5xf32, #tpu.memory_space<smem>>
    %get3A_250 = arith.index_cast %arg0 : i32 to index
    %get3A_251 = arith.constant 3 : index
    %get3A_252 = arith.constant 2 : index
    %get3A_253 = memref.load %arg4[%get3A_250, %get3A_251, %get3A_252] : memref<2x5x5xf32, #tpu.memory_space<smem>>
    %jit3A_254 = arith.constant 0.000000e+00 : f32
    %broadcast_in_dim3A_255 = vector.broadcast %jit3A_254 : f32 to vector<128x512xf32>
    %select_n3A_256 = arith.select %eq3A_14, %get3A_232, %broadcast_in_dim3A_255 : vector<128x512xi1>, vector<128x512xf32>
    %reduce_sum3A_257 = vector.shape_cast %select_n3A_256 : vector<128x512xf32> to vector<1x128x512xf32>
    %reduce_sum3A_258 = arith.constant dense<0.000000e+00> : vector<1xf32>
    %reduce_sum3A_259 = vector.multi_reduction <add>, %reduce_sum3A_257, %reduce_sum3A_258 [1, 2] : vector<1x128x512xf32> to vector<1xf32>
    %reduce_sum3A_260 = vector.shape_cast %reduce_sum3A_259 : vector<1xf32> to vector<1x1x1xf32>
    %reduce_sum3A_261 = vector.extract %reduce_sum3A_260[0, 0, 0] : f32 from vector<1x1x1xf32>
    %add3A_262 = arith.addf %get3A_253, %reduce_sum3A_261 : f32
    %swap3A_263 = arith.index_cast %arg0 : i32 to index
    %swap3A_264 = arith.constant 3 : index
    %swap3A_265 = arith.constant 2 : index
    %swap3A_266 = memref.load %arg4[%swap3A_263, %swap3A_264, %swap3A_265] : memref<2x5x5xf32, #tpu.memory_space<smem>>
    memref.store %add3A_262, %arg4[%swap3A_263, %swap3A_264, %swap3A_265] : memref<2x5x5xf32, #tpu.memory_space<smem>>
    %get3A_267 = arith.index_cast %arg0 : i32 to index
    %get3A_268 = arith.constant 3 : index
    %get3A_269 = arith.constant 3 : index
    %get3A_270 = memref.load %arg4[%get3A_267, %get3A_268, %get3A_269] : memref<2x5x5xf32, #tpu.memory_space<smem>>
    %jit3A_271 = arith.constant 0.000000e+00 : f32
    %broadcast_in_dim3A_272 = vector.broadcast %jit3A_271 : f32 to vector<128x512xf32>
    %select_n3A_273 = arith.select %eq3A_17, %get3A_232, %broadcast_in_dim3A_272 : vector<128x512xi1>, vector<128x512xf32>
    %reduce_sum3A_274 = vector.shape_cast %select_n3A_273 : vector<128x512xf32> to vector<1x128x512xf32>
    %reduce_sum3A_275 = arith.constant dense<0.000000e+00> : vector<1xf32>
    %reduce_sum3A_276 = vector.multi_reduction <add>, %reduce_sum3A_274, %reduce_sum3A_275 [1, 2] : vector<1x128x512xf32> to vector<1xf32>
    %reduce_sum3A_277 = vector.shape_cast %reduce_sum3A_276 : vector<1xf32> to vector<1x1x1xf32>
    %reduce_sum3A_278 = vector.extract %reduce_sum3A_277[0, 0, 0] : f32 from vector<1x1x1xf32>
    %add3A_279 = arith.addf %get3A_270, %reduce_sum3A_278 : f32
    %swap3A_280 = arith.index_cast %arg0 : i32 to index
    %swap3A_281 = arith.constant 3 : index
    %swap3A_282 = arith.constant 3 : index
    %swap3A_283 = memref.load %arg4[%swap3A_280, %swap3A_281, %swap3A_282] : memref<2x5x5xf32, #tpu.memory_space<smem>>
    memref.store %add3A_279, %arg4[%swap3A_280, %swap3A_281, %swap3A_282] : memref<2x5x5xf32, #tpu.memory_space<smem>>
    %get3A_284 = arith.index_cast %arg0 : i32 to index
    %get3A_285 = arith.constant 3 : index
    %get3A_286 = arith.constant 4 : index
    %get3A_287 = memref.load %arg4[%get3A_284, %get3A_285, %get3A_286] : memref<2x5x5xf32, #tpu.memory_space<smem>>
    %jit3A_288 = arith.constant 0.000000e+00 : f32
    %broadcast_in_dim3A_289 = vector.broadcast %jit3A_288 : f32 to vector<128x512xf32>
    %select_n3A_290 = arith.select %eq3A_20, %get3A_232, %broadcast_in_dim3A_289 : vector<128x512xi1>, vector<128x512xf32>
    %reduce_sum3A_291 = vector.shape_cast %select_n3A_290 : vector<128x512xf32> to vector<1x128x512xf32>
    %reduce_sum3A_292 = arith.constant dense<0.000000e+00> : vector<1xf32>
    %reduce_sum3A_293 = vector.multi_reduction <add>, %reduce_sum3A_291, %reduce_sum3A_292 [1, 2] : vector<1x128x512xf32> to vector<1xf32>
    %reduce_sum3A_294 = vector.shape_cast %reduce_sum3A_293 : vector<1xf32> to vector<1x1x1xf32>
    %reduce_sum3A_295 = vector.extract %reduce_sum3A_294[0, 0, 0] : f32 from vector<1x1x1xf32>
    %add3A_296 = arith.addf %get3A_287, %reduce_sum3A_295 : f32
    %swap3A_297 = arith.index_cast %arg0 : i32 to index
    %swap3A_298 = arith.constant 3 : index
    %swap3A_299 = arith.constant 4 : index
    %swap3A_300 = memref.load %arg4[%swap3A_297, %swap3A_298, %swap3A_299] : memref<2x5x5xf32, #tpu.memory_space<smem>>
    memref.store %add3A_296, %arg4[%swap3A_297, %swap3A_298, %swap3A_299] : memref<2x5x5xf32, #tpu.memory_space<smem>>
    %get3A_301 = arith.constant 0 : index
    %get3A_302 = arith.constant 3 : index
    %get3A_303 = arith.constant 0 : index
    %get3A_304 = arith.constant 0 : index
    %get3A_305 = vector.load %arg2[%get3A_301, %get3A_302, %get3A_303, %get3A_304] : memref<1x4x128x512xf32, #tpu.memory_space<vmem>>, vector<1x1x128x512xf32>
    %get3A_306 = vector.shape_cast %get3A_305 : vector<1x1x128x512xf32> to vector<128x512xf32>
    %get3A_307 = arith.index_cast %arg0 : i32 to index
    %get3A_308 = arith.constant 4 : index
    %get3A_309 = arith.constant 1 : index
    %get3A_310 = memref.load %arg4[%get3A_307, %get3A_308, %get3A_309] : memref<2x5x5xf32, #tpu.memory_space<smem>>
    %jit3A_311 = arith.constant 0.000000e+00 : f32
    %broadcast_in_dim3A_312 = vector.broadcast %jit3A_311 : f32 to vector<128x512xf32>
    %select_n3A_313 = arith.select %eq3A_11, %get3A_306, %broadcast_in_dim3A_312 : vector<128x512xi1>, vector<128x512xf32>
    %reduce_sum3A_314 = vector.shape_cast %select_n3A_313 : vector<128x512xf32> to vector<1x128x512xf32>
    %reduce_sum3A_315 = arith.constant dense<0.000000e+00> : vector<1xf32>
    %reduce_sum3A_316 = vector.multi_reduction <add>, %reduce_sum3A_314, %reduce_sum3A_315 [1, 2] : vector<1x128x512xf32> to vector<1xf32>
    %reduce_sum3A_317 = vector.shape_cast %reduce_sum3A_316 : vector<1xf32> to vector<1x1x1xf32>
    %reduce_sum3A_318 = vector.extract %reduce_sum3A_317[0, 0, 0] : f32 from vector<1x1x1xf32>
    %add3A_319 = arith.addf %get3A_310, %reduce_sum3A_318 : f32
    %swap3A_320 = arith.index_cast %arg0 : i32 to index
    %swap3A_321 = arith.constant 4 : index
    %swap3A_322 = arith.constant 1 : index
    %swap3A_323 = memref.load %arg4[%swap3A_320, %swap3A_321, %swap3A_322] : memref<2x5x5xf32, #tpu.memory_space<smem>>
    memref.store %add3A_319, %arg4[%swap3A_320, %swap3A_321, %swap3A_322] : memref<2x5x5xf32, #tpu.memory_space<smem>>
    %get3A_324 = arith.index_cast %arg0 : i32 to index
    %get3A_325 = arith.constant 4 : index
    %get3A_326 = arith.constant 2 : index
    %get3A_327 = memref.load %arg4[%get3A_324, %get3A_325, %get3A_326] : memref<2x5x5xf32, #tpu.memory_space<smem>>
    %jit3A_328 = arith.constant 0.000000e+00 : f32
    %broadcast_in_dim3A_329 = vector.broadcast %jit3A_328 : f32 to vector<128x512xf32>
    %select_n3A_330 = arith.select %eq3A_14, %get3A_306, %broadcast_in_dim3A_329 : vector<128x512xi1>, vector<128x512xf32>
    %reduce_sum3A_331 = vector.shape_cast %select_n3A_330 : vector<128x512xf32> to vector<1x128x512xf32>
    %reduce_sum3A_332 = arith.constant dense<0.000000e+00> : vector<1xf32>
    %reduce_sum3A_333 = vector.multi_reduction <add>, %reduce_sum3A_331, %reduce_sum3A_332 [1, 2] : vector<1x128x512xf32> to vector<1xf32>
    %reduce_sum3A_334 = vector.shape_cast %reduce_sum3A_333 : vector<1xf32> to vector<1x1x1xf32>
    %reduce_sum3A_335 = vector.extract %reduce_sum3A_334[0, 0, 0] : f32 from vector<1x1x1xf32>
    %add3A_336 = arith.addf %get3A_327, %reduce_sum3A_335 : f32
    %swap3A_337 = arith.index_cast %arg0 : i32 to index
    %swap3A_338 = arith.constant 4 : index
    %swap3A_339 = arith.constant 2 : index
    %swap3A_340 = memref.load %arg4[%swap3A_337, %swap3A_338, %swap3A_339] : memref<2x5x5xf32, #tpu.memory_space<smem>>
    memref.store %add3A_336, %arg4[%swap3A_337, %swap3A_338, %swap3A_339] : memref<2x5x5xf32, #tpu.memory_space<smem>>
    %get3A_341 = arith.index_cast %arg0 : i32 to index
    %get3A_342 = arith.constant 4 : index
    %get3A_343 = arith.constant 3 : index
    %get3A_344 = memref.load %arg4[%get3A_341, %get3A_342, %get3A_343] : memref<2x5x5xf32, #tpu.memory_space<smem>>
    %jit3A_345 = arith.constant 0.000000e+00 : f32
    %broadcast_in_dim3A_346 = vector.broadcast %jit3A_345 : f32 to vector<128x512xf32>
    %select_n3A_347 = arith.select %eq3A_17, %get3A_306, %broadcast_in_dim3A_346 : vector<128x512xi1>, vector<128x512xf32>
    %reduce_sum3A_348 = vector.shape_cast %select_n3A_347 : vector<128x512xf32> to vector<1x128x512xf32>
    %reduce_sum3A_349 = arith.constant dense<0.000000e+00> : vector<1xf32>
    %reduce_sum3A_350 = vector.multi_reduction <add>, %reduce_sum3A_348, %reduce_sum3A_349 [1, 2] : vector<1x128x512xf32> to vector<1xf32>
    %reduce_sum3A_351 = vector.shape_cast %reduce_sum3A_350 : vector<1xf32> to vector<1x1x1xf32>
    %reduce_sum3A_352 = vector.extract %reduce_sum3A_351[0, 0, 0] : f32 from vector<1x1x1xf32>
    %add3A_353 = arith.addf %get3A_344, %reduce_sum3A_352 : f32
    %swap3A_354 = arith.index_cast %arg0 : i32 to index
    %swap3A_355 = arith.constant 4 : index
    %swap3A_356 = arith.constant 3 : index
    %swap3A_357 = memref.load %arg4[%swap3A_354, %swap3A_355, %swap3A_356] : memref<2x5x5xf32, #tpu.memory_space<smem>>
    memref.store %add3A_353, %arg4[%swap3A_354, %swap3A_355, %swap3A_356] : memref<2x5x5xf32, #tpu.memory_space<smem>>
    %get3A_358 = arith.index_cast %arg0 : i32 to index
    %get3A_359 = arith.constant 4 : index
    %get3A_360 = arith.constant 4 : index
    %get3A_361 = memref.load %arg4[%get3A_358, %get3A_359, %get3A_360] : memref<2x5x5xf32, #tpu.memory_space<smem>>
    %jit3A_362 = arith.constant 0.000000e+00 : f32
    %broadcast_in_dim3A_363 = vector.broadcast %jit3A_362 : f32 to vector<128x512xf32>
    %select_n3A_364 = arith.select %eq3A_20, %get3A_306, %broadcast_in_dim3A_363 : vector<128x512xi1>, vector<128x512xf32>
    %reduce_sum3A_365 = vector.shape_cast %select_n3A_364 : vector<128x512xf32> to vector<1x128x512xf32>
    %reduce_sum3A_366 = arith.constant dense<0.000000e+00> : vector<1xf32>
    %reduce_sum3A_367 = vector.multi_reduction <add>, %reduce_sum3A_365, %reduce_sum3A_366 [1, 2] : vector<1x128x512xf32> to vector<1xf32>
    %reduce_sum3A_368 = vector.shape_cast %reduce_sum3A_367 : vector<1xf32> to vector<1x1x1xf32>
    %reduce_sum3A_369 = vector.extract %reduce_sum3A_368[0, 0, 0] : f32 from vector<1x1x1xf32>
    %add3A_370 = arith.addf %get3A_361, %reduce_sum3A_369 : f32
    %swap3A_371 = arith.index_cast %arg0 : i32 to index
    %swap3A_372 = arith.constant 4 : index
    %swap3A_373 = arith.constant 4 : index
    %swap3A_374 = memref.load %arg4[%swap3A_371, %swap3A_372, %swap3A_373] : memref<2x5x5xf32, #tpu.memory_space<smem>>
    memref.store %add3A_370, %arg4[%swap3A_371, %swap3A_372, %swap3A_373] : memref<2x5x5xf32, #tpu.memory_space<smem>>
    return
  }
  func.func @transform_0(%arg0: i32, %arg1: i32) -> (i32, i32, i32, i32) {
    %add3A = arith.constant 1 : i32
    %add3A_0 = arith.addi %add3A, %arg1 : i32
    %c0_i32 = arith.constant 0 : i32
    %c0_i32_1 = arith.constant 0 : i32
    %c0_i32_2 = arith.constant 0 : i32
    return %arg0, %c0_i32, %add3A_0, %c0_i32_1 : i32, i32, i32, i32
  }
  func.func @transform_1(%arg0: i32, %arg1: i32) -> (i32, i32, i32, i32) {
    %add3A = arith.constant 1 : i32
    %add3A_0 = arith.addi %add3A, %arg1 : i32
    %c0_i32 = arith.constant 0 : i32
    %c0_i32_1 = arith.constant 0 : i32
    %c0_i32_2 = arith.constant 0 : i32
    return %arg0, %c0_i32, %add3A_0, %c0_i32_1 : i32, i32, i32, i32
  }
  func.func @transform_2(%arg0: i32, %arg1: i32) -> (i32, i32, i32) {
    %c0_i32 = arith.constant 0 : i32
    %c0_i32_0 = arith.constant 0 : i32
    %c0_i32_1 = arith.constant 0 : i32
    %c0_i32_2 = arith.constant 0 : i32
    return %c0_i32, %c0_i32_0, %c0_i32_1 : i32, i32, i32
  }
}

</mosaic_0001>

<sc_bundles>
// kernel: kernel.5.cloned.1.call-start
scs
__scs_entry_jumppad:
0x0: {  	(pc) =	sbr.rel $0x88, $3  }
0x1: {  	(tag) =	ssettag $0x0;
	lr =	simm.s32 $0x1  }
0x2: {  	[smem:$0x3F9F] =	sst lr;
	_ =	strace $0xD0000000  }
0x3: {  	_ = 	snop  }
0x4: {  	_ = 	snop  }
0x5: {  	_ = 	snop  }
0x6: {  	_ = 	snop  }
0x7: {  	_ = 	snop  }
__scs_overlays_trampoline_lowered:
0x8: {  	[smem:$0x3FAE] =	sst s0  }
0x9: {  	[smem:$0x3FAF] =	sst s1  }
0xa: {  	[smem:$0x3FB0] =	sst s2  }
0xb: {  	[smem:$0x3FB1] =	sst s3  }
0xc: {  	[smem:$0x3FB2] =	sst s4  }
0xd: {  	[smem:$0x3FB3] =	sst s5  }
0xe: {  	[smem:$0x3FB4] =	sst s6  }
0xf: {  	[smem:$0x3FB5] =	sst s7  }
0x10: {  	[smem:$0x3FB6] =	sst s8  }
0x11: {  	[smem:$0x3FB7] =	sst s9;
	s0 =	simm.s32 @!p0 $0x0  }
0x12: {  	s1 =	sld [smem:$0x3F9D];
	s0 =	simm.s32 @p0 $0x1  }
0x13: {  	[smem:$0x3FB8] =	sst s0;
	s0 =	simm.s32 @!p1 $0x0  }
0x14: {  	s2 =	sld [smem:$0x3F9C];
	s0 =	simm.s32 @p1 $0x1  }
0x15: {  	[smem:$0x3FB9] =	sst s0;
	s0 =	simm.s32 @!p2 $0x0  }
0x16: {  	s3 =	sld [smem:$0x3FDB];
	s0 =	simm.s32 @p2 $0x1  }
0x17: {  	s4 =	simm.s32 $0x1BF5;
	[smem:$0x3FBB] =	sst s0  }
0x18: {  	s0 =	sld [smem:$0x3F9E];
	_ =	swait.ge [sflag:s4], $0x0  }
0x19: {  	s7 =	sld [smem:$0x3F9F]  }
0x1a: {  	s8 =	sadd.s32 $0xFFFFE003, lr  }
0x1b: {  	s9 =	sadd.s32 $0xFFFFFEF7, lr;
	s5 =	simm.s32 $0xFFFFFFFF;
	p2 =	slt.u32 s8, $0xFFFFF086  }
0x1c: {  	p1 =	slt.u32 s9, $0xF7A;
	s5 =	simm.s32 @!p2 $0x0  }
0x1d: {  	s5 =	simm.s32 @p1 $0x1;
	p0 =	seq.s32 s7, s2  }
0x1e: {  	s7 =	smul.u32 @!p0 $0xF7A, s2;
	p2 =	seq.s32 @!p0 s5, $0x0  }
0x1f: {  	s9 =	smul.u32 $0xF7A, s1;
	s8 =	simm.s32 @!p0 $0x1BF5;
	p2 =	por !p2, p0  }
0x20: {  	[sflag:s8] =	ssyncset.s32 @!p0 $0xFFFFF086;
	s6 =	sadd.s32 @!p0 s3, s7;
	s7 =	simm.s32 @!p0 $0x108  }
0x21: {  	s3 =	sadd.s32 s3, s9;
	s6 =	sadd.s32 @!p0 $0x88, s6;
	s7 =	simm.s32 @p2 $0x1082  }
0x22: {  	[simem:s7], [sflag:s8] =	dma.local @!p0 [hbm:s6], $0xF7A  }
0x23: {  	s9 =	sor.u32 $0xD0000000, s2;
	s6 =	simm.s32 $0x108;
	_ =	swait.ge @!p0 [sflag:s8], $0x0  }
0x24: {  	s3 =	sadd.s32 $0x88, s3;
	s6 =	simm.s32 @!p1 $0x1082;
	[sflag:s4] =	ssyncset.s32 $0xFFFFF086  }
0x25: {  	[simem:s6], [sflag:s4] =	dma.local [hbm:s3], $0xF7A  }
0x26: {  	[smem:$0x3F9F] =	sst s1;
	(tag) =	ssettag s2;
	_ =	strace s9  }
0x27: {  	s1 =	sld [smem:$0x3FAF]  }
0x28: {  	s2 =	sld [smem:$0x3FB0]  }
0x29: {  	s4 =	sld [smem:$0x3FB2]  }
0x2a: {  	p0 =	seq.s32 s5, $0x0;
	s5 =	sld [smem:$0x3FB3]  }
0x2b: {  	s6 =	sld [smem:$0x3FB4]  }
0x2c: {  	s7 =	sld [smem:$0x3FB5]  }
0x2d: {  	s3 =	simm.s32 $0x108;
	s8 =	sld [smem:$0x3FB6]  }
0x2e: {  	s3 =	simm.s32 @!p0 $0x1082;
	s9 =	sld [smem:$0x3FB7]  }
0x2f: {  	lr =	sadd.s32 s0, s3;
	s0 =	sld [smem:$0x3FAE]  }
0x30: {  	s3 =	sld [smem:$0x3FB1]  }
0x31: {  	[smem:$0x3FBA] =	sst s10  }
0x32: {  	s10 =	sld [smem:$0x3FB8];
	_ =	sdelay $0x3  }
0x33: {  	p0 =	seq.s32 s10, $0x1;
	s10 =	sld [smem:$0x3FBA];
	_ =	sdelay $0x3  }
0x34: {  	[smem:$0x3FBA] =	sst s10  }
0x35: {  	s10 =	sld [smem:$0x3FB9];
	_ =	sdelay $0x3  }
0x36: {  	p1 =	seq.s32 s10, $0x1;
	s10 =	sld [smem:$0x3FBA];
	_ =	sdelay $0x3  }
0x37: {  	[smem:$0x3FBA] =	sst s10  }
0x38: {  	s10 =	sld [smem:$0x3FBB]  }
0x39: {  	_ = 	snop;
	(pc) =	sbr.ind lr, $3  }
0x3a: {  	_ = 	snop  }
0x3b: {  	_ = 	snop  }
0x3c: {  	p2 =	seq.s32 s10, $0x1;
	s10 =	sld [smem:$0x3FBA]  }
0x3d: {  	_ =	shalt  }
0x3e: {  	_ =	shalt  }
0x3f: {  	_ =	shalt  }
0x40: {  	_ =	shalt  }
0x41: {  	_ =	shalt  }
0x42: {  	_ =	shalt  }
0x43: {  	_ =	shalt  }
0x44: {  	_ =	shalt  }
0x45: {  	_ =	shalt  }
0x46: {  	_ =	shalt  }
0x47: {  	_ =	shalt  }
0x48: {  	_ =	shalt  }
0x49: {  	_ =	shalt  }
0x4a: {  	_ =	shalt  }
0x4b: {  	_ =	shalt  }
0x4c: {  	_ =	shalt  }
0x4d: {  	_ =	shalt  }
0x4e: {  	_ =	shalt  }
0x4f: {  	_ =	shalt  }
0x50: {  	_ =	shalt  }
0x51: {  	_ =	shalt  }
0x52: {  	_ =	shalt  }
0x53: {  	_ =	shalt  }
0x54: {  	_ =	shalt  }
0x55: {  	_ =	shalt  }
0x56: {  	_ =	shalt  }
0x57: {  	_ =	shalt  }
0x58: {  	_ =	shalt  }
0x59: {  	_ =	shalt  }
0x5a: {  	_ =	shalt  }
0x5b: {  	_ =	shalt  }
0x5c: {  	_ =	shalt  }
0x5d: {  	_ =	shalt  }
0x5e: {  	_ =	shalt  }
0x5f: {  	_ =	shalt  }
0x60: {  	_ =	shalt  }
0x61: {  	_ =	shalt  }
0x62: {  	_ =	shalt  }
0x63: {  	_ =	shalt  }
0x64: {  	_ =	shalt  }
0x65: {  	_ =	shalt  }
0x66: {  	_ =	shalt  }
0x67: {  	_ =	shalt  }
0x68: {  	_ =	shalt  }
0x69: {  	_ =	shalt  }
0x6a: {  	_ =	shalt  }
0x6b: {  	_ =	shalt  }
0x6c: {  	_ =	shalt  }
0x6d: {  	_ =	shalt  }
0x6e: {  	_ =	shalt  }
0x6f: {  	_ =	shalt  }
0x70: {  	_ =	shalt  }
0x71: {  	_ =	shalt  }
0x72: {  	_ =	shalt  }
0x73: {  	_ =	shalt  }
0x74: {  	_ =	shalt  }
0x75: {  	_ =	shalt  }
0x76: {  	_ =	shalt  }
0x77: {  	_ =	shalt  }
0x78: {  	_ =	shalt  }
0x79: {  	_ =	shalt  }
0x7a: {  	_ =	shalt  }
0x7b: {  	_ =	shalt  }
0x7c: {  	_ =	shalt  }
0x7d: {  	_ =	shalt  }
0x7e: {  	_ =	shalt  }
0x7f: {  	_ =	shalt  }
0x80: {  	_ =	shalt  }
0x81: {  	_ =	shalt  }
0x82: {  	_ =	shalt  }
0x83: {  	_ =	shalt  }
0x84: {  	_ =	shalt  }
0x85: {  	_ =	shalt  }
0x86: {  	_ =	shalt  }
0x87: {  	_ =	shalt  }
.Lfunc_end0:
.L_simem_size_0:
called_computation_lowered:
.L_overlay_start_0:
0x88: {  	s2 =	sld [smem:$0x3FD9]  }
0x89: {  	s3 =	sld [smem:$0x3FFE];
	_ =	sdelay $0x1  }
0x8a: {  	s1 =	srdreg.scid  }
0x8b: {  	s0 =	sand.u32 $0x1, s1  }
0x8c: {  	s17 =	sshll.u32 s0, $0xA;
	s2 =	sadd.s32 s3, s2  }
0x8d: {  	s2 =	sadd.s32 s2, s17  }
0x8e: {  	[smem:$0x3FC6] =	sst s2  }
0x8f: {  	_ = 	snop  }
0x90: {  	s2 =	sld [smem:$0x3FC9]  }
0x91: {  	s18 =	sld [smem:$0x3FC8];
	(tm) =	ssettm $0x1  }
0x92: {  	s4 =	sld [smem:$0x3FFB];
	_ =	sdelay $0x3  }
0x93: {  	_ =	strace s4  }
0x94: {  	s4 =	sld [smem:$0x3FFC];
	_ =	sdelay $0x3  }
0x95: {  	_ =	strace s4  }
0x96: {  	s4 =	sld [smem:$0x3FFD];
	_ =	sdelay $0x3  }
0x97: {  	_ =	strace s4  }
0x98: {  	_ =	strace $0x8FFFFFFF  }
0x99: {  	s19 =	sld [smem:$0x3FDB];
	_ =	sdelay $0x1  }
0x9a: {  	s5 =	simm.s32 $_scs_section_size  }
0x9b: {  	s6 =	simm.s32 $_size__tile_overlayer_lowered;
	s7 =	simm.s32 $_tile_overlayer_lowered  }
0x9c: {  	s22 =	simm.s32 $0x1BFF;
	s21 =	sshll.u32 s7, $0x1;
	s4 =	sadd.s32 s5, s19  }
0x9d: {  	s8 =	simm.s32 $0x0;
	s20 =	sshll.u32 s6, $0x1;
	s6 =	sadd.s32 s21, s4  }
0x9e: {  	[timem:s8], [sflag:s22] =	dma.local [hbm:s6], s20  }
0x9f: {  	_ =	swait.ge [sflag:s22], s20  }
0xa0: {  	s5 =	ssub.s32 $0x0, s20;
	[sflag:s22] =	ssyncset.done $0x0  }
0xa1: {  	[sflag:s22] =	ssyncadd.s32 s5;
	_ =	sdelay $0x1  }
0xa2: {  	s23 =	simm.s32 $0x1B8B  }
0xa3: {  	_ =	swait.ge [sflag:s23], $0x1  }
0xa4: {  	[sflag:s23] =	ssyncset.done $0x0  }
0xa5: {  	s25 =	simm.s32 $0x1B8E;
	s24 =	sld [smem:$0x3FFE];
	[sflag:s23] =	ssyncadd.s32 $0xFFFFFFFF  }
0xa6: {  	s26 =	simm.s32 $execute0_lowered;
	[smem:$0x3FD2] =	sst s25  }
0xa7: {  	s6 =	sshll.u32 s26, $0x1;
	_ =	strace $0x80000046;
	[dreg:$0x1] =	wrdreg $0xFFFFFFFF  }
0xa8: {  	s28 =	simm.s32 $_size_execute0_lowered;
	s4 =	sadd.s32 s4, s6;
	[dreg:$0x0] =	wrdreg $0x0  }
0xa9: {  	s6 =	sshll.u32 s28, $0x1;
	[dreg:$0x2] =	wrdreg s4  }
0xaa: {  	[dreg:$0x3] =	wrdreg s6  }
0xab: {  	[dreg:$0x4] =	wrdreg $0xC0  }
0xac: {  	_ =	task [dreg:s8], $0x5FFFF  }
0xad: {  	[dreg:$0x1] =	wrdreg $0xFFFFFFFF  }
0xae: {  	[dreg:$0x0] =	wrdreg $0x60  }
0xaf: {  	[dreg:$0x2] =	wrdreg s2  }
0xb0: {  	[dreg:$0x3] =	wrdreg s18  }
0xb1: {  	[dreg:$0x4] =	wrdreg s24  }
0xb2: {  	[dreg:$0x5] =	wrdreg $0x9  }
0xb3: {  	_ =	task.clear_ibuf [dreg:s8], $0x6FFFF;
	_ =	strace $0x90000046  }
0xb4: {  	s29 =	simm.s32 $0x9;
	_ =	strace $0x80000048  }
0xb5: {  	_ =	swait.ge [sflag:s29], $0x1  }
0xb6: {  	[sflag:s29] =	ssyncadd.s32 $0xFFFFFFFF  }
0xb7: {  	_ =	strace $0x90000048  }
0xb8: {  	_ =	sfence  }
0xb9: {  	s30 =	sld [smem:$0x0];
	_ =	sdelay $0x2  }
0xba: {  	s31 =	sshll.u32 s1, $0xD;
	s1 =	sshrl.u32 s1, $0x2  }
0xbb: {  	s3 =	sand.u32 $0x4000, s31;
	s1 =	sadd.s32 s1, s30  }
0xbc: {  	s0 =	sor.u32 s3, s0;
	s1 =	sshll.u32 s1, $0x11  }
0xbd: {  	s0 =	sor.u32 s1, s0  }
0xbe: {  	s0 =	sadd.s32 $0x8F2B, s0  }
0xbf: {  	[sflag:s0] =	ssyncadd.remote.s32 $0x1  }
0xc0: {  	_ =	sfence.sel $0xFFFF  }
0xc1: {  	[dreg:$0x0] =	wrdreg $0xFFFFFFFF;
	(pc) =	sbr.abs _section_cstart, $3  }
0xc2: {  	[dreg:$0x1] =	wrdreg $0xFFFFFFFF  }
0xc3: {  	_ =	task.clear_ibuf [dreg:s8], $0x2FFFF;
	_ =	strace $0x9FFFFFFF  }
0xc4: {  	(tm) =	ssettm $0x7FFFFFFF  }
0xc5: {  	_ =	shalt  }
tec
execute0_lowered:
.L_overlay_start_1:
0x0: {  	(tag) =	ssettag $0x1  }
0x1: {  	s4 =	rddreg [dreg:$0x0]  }
0x2: {  	s3 =	rddreg [dreg:$0x1]  }
0x3: {  	s2 =	rddreg [dreg:$0x2]  }
0x4: {  	s0 =	rddreg [dreg:$0x3]  }
0x5: {  	s1 =	simm.s32 $0x0;
	s5 =	srdreg.scid;
	s12 =	simm.s32 $0xA080  }
0x6: {  	s13 =	simm.s32 $0xA100;
	s14 =	simm.s32 $0xA180;
	s15 =	simm.s32 $0xA200  }
0x7: {  	s16 =	simm.s32 $0x80;
	s17 =	simm.s32 $0x400;
	s18 =	simm.s32 $0xA280  }
0x8: {  	s19 =	simm.s32 $0x2;
	[smem:$0x7FF] =	sst s1;
	s5 =	sand.u32 $0x1, s5  }
0x9: {  	s20 =	simm.s32 $0x0;
	_ =	strace $0x80000047;
	s6 =	sshll.u32 s5, $0xA  }
0xa: {  	s7 =	ssub.s32 $0x2, s5;
	s9 =	sshll.u32 s5, $0x12;
	s5 =	sshll.u32 s5, $0x14  }
0xb: {  	s6 =	sadd.s32 s6, s2;
	s2 =	stileid.u32;
	s8 =	sshrl.u32 s7, $0x1  }
0xc: {  	s10 =	sshll.u32 s2, $0xC;
	s7 =	ssub.s32 s7, s8;
	s30 =	sshll.u32 s2, $0x6  }
0xd: {  	s11 =	sshll.u32 s2, $0x4;
	s29 =	sor.u32 s10, s9;
	s9 =	sand.u32 $0x200, s30  }
0xe: {  	s5 =	sor.u32 s10, s5;
	s31 =	sand.u32 $0x70, s11;
	s10 =	simm.s32 $0x1  }
0xf: {  	s11 =	simm.s32 $0xA000;
	s6 =	sadd.s32 s9, s6;
	s8 =	sshrl.u32 s29, $0x3  }
0x10: {  	s5 =	sshrl.u32 s5, $0x3;
	s9 =	simm.s32 $0x2000;
	s6 =	sadd.s32 s31, s6  }
0x11: {  	s3 =	sadd.s32 s3, s8;
	s4 =	sadd.s32 s4, s5;
	s8 =	simm.s32 $0x40000  }
0x12: {  	v0 =	vimm.f32 $0.0e+00;
	v1 =	vlaneseq.u32;
	v2 =	vimm.f32 $1.000000000e+00;
	s5 =	sadd.s32 $0xA00, s6;
	s6 =	smax.u32 s7, $0x1;
	s7 =	simm.s32 $0x1000  }
.LBB2_1:
0x13: {  	[tilespmem:$0xA000] =	vst v0  }
0x14: {  	[tilespmem:$0xA010] =	vst v0  }
0x15: {  	[tilespmem:$0xA020] =	vst v0  }
0x16: {  	[tilespmem:$0xA030] =	vst v0  }
0x17: {  	[tilespmem:$0xA040] =	vst v0  }
0x18: {  	[tilespmem:$0xA080] =	vst v0  }
0x19: {  	[tilespmem:$0xA090] =	vst v0  }
0x1a: {  	[tilespmem:$0xA0A0] =	vst v0  }
0x1b: {  	[tilespmem:$0xA0B0] =	vst v0  }
0x1c: {  	[tilespmem:$0xA0C0] =	vst v0  }
0x1d: {  	[tilespmem:$0xA100] =	vst v0  }
0x1e: {  	[tilespmem:$0xA110] =	vst v0  }
0x1f: {  	[tilespmem:$0xA120] =	vst v0  }
0x20: {  	[tilespmem:$0xA130] =	vst v0  }
0x21: {  	[tilespmem:$0xA140] =	vst v0  }
0x22: {  	[tilespmem:$0xA180] =	vst v0  }
0x23: {  	[tilespmem:$0xA190] =	vst v0  }
0x24: {  	[tilespmem:$0xA1A0] =	vst v0  }
0x25: {  	[tilespmem:$0xA1B0] =	vst v0  }
0x26: {  	[tilespmem:$0xA1C0] =	vst v0  }
0x27: {  	[tilespmem:$0xA200] =	vst v0  }
0x28: {  	[tilespmem:$0xA210] =	vst v0  }
0x29: {  	[tilespmem:$0xA220] =	vst v0  }
0x2a: {  	[tilespmem:$0xA230] =	vst v0  }
0x2b: {  	[tilespmem:$0xA240] =	vst v0  }
0x2c: {  	[tilespmem:s1], [sflag:$0x1] =	stream.linear.gather [hbm4b:s3+s1], $0x1000, $0x38;
	[tilespmem:$0xA480] =	vst v63  }
0x2d: {  	_ = 	snop  }
0x2e: {  	[tilespmem:s9], [sflag:$0x1] =	stream.strided.gather [hbm4b:s4+s7], $0x4000, s8, s7, $0x38;
	[tilespmem:$0xA480] =	vst v63  }
0x2f: {  	_ =	swait.ge [sflag:s10], $0x1000  }
0x30: {  	[sflag:s10] =	ssyncset.done $0x0  }
0x31: {  	s21 =	sand.u32 $0x3, s1;
	[sflag:s10] =	ssyncadd.s32 $0xFFFFF000  }
0x32: {  	s21 =	sshll.u32 s21, $0xA;
	_ =	swait.ge [sflag:s10], $0x4000  }
0x33: {  	s21 =	sadd.s32 $0x0, s21;
	[sflag:s10] =	ssyncset.done $0x0  }
0x34: {  	s22 =	sor.u32 $0x70, s21;
	[sflag:s10] =	ssyncadd.s32 $0xFFFFC000  }
0x35: {  	v3 =	vld [tilespmem:s22+$0x0]  }
0x36: {  	s21 =	sor.u32 $0x60, s21  }
0x37: {  	v4 =	vld [tilespmem:s21+$0x0];
	_ =	sdelay $0x2  }
0x38: {  	v3 =	vshll.u32 v3, $0x4  }
0x39: {  	v10 =	vor.u32 v1, v3  }
0x3a: {  	v3 =	vshll.u32 v4, $0x4  }
0x3b: {  	v3 =	vor.u32 v1, v3;
	_ =	sdelay $0x2  }
0x3c: {  	[tilespmem:v10+s11+$0x0] =	vst.idx.add.f32.msk $0xffff, v2  }
0x3d: {  	v4 =	vld [tilespmem:s22+$0x2000]  }
0x3e: {  	s30 =	sand.u32 $0xC00, s1;
	s31 =	sand.u32 $0x380, s1;
	[tilespmem:v3+s11+$0x0] =	vst.idx.add.f32.msk $0xffff, v2  }
0x3f: {  	v6 =	vld [tilespmem:s21+$0x2000];
	s21 =	sor.u32 s31, s30  }
0x40: {  	v5 =	vld [tilespmem:s21+$0x0]  }
0x41: {  	v7 =	vld [tilespmem:s21+$0x10]  }
0x42: {  	v8 =	vld [tilespmem:s21+$0x20]  }
0x43: {  	[tilespmem:v10+s12+$0x0] =	vst.idx.add.f32.msk $0xffff, v4  }
0x44: {  	v4 =	vld [tilespmem:s21+$0x3070]  }
0x45: {  	v9 =	vld [tilespmem:s21+$0x30]  }
0x46: {  	v12 =	vld [tilespmem:s21+$0x40]  }
0x47: {  	[tilespmem:v3+s12+$0x0] =	vst.idx.add.f32.msk $0xffff, v6  }
0x48: {  	v14 =	vld [tilespmem:s21+$0x3060]  }
0x49: {  	[tilespmem:v10+s13+$0x0] =	vst.idx.add.f32.msk $0xffff, v4  }
0x4a: {  	v4 =	vshll.u32 v5, $0x4;
	v11 =	vld [tilespmem:s21+$0x4070]  }
0x4b: {  	v13 =	vld [tilespmem:s21+$0x50];
	v5 =	vshll.u32 v7, $0x4;
	v4 =	vor.u32 v1, v4  }
0x4c: {  	v7 =	vshll.u32 v8, $0x4;
	v5 =	vor.u32 v1, v5  }
0x4d: {  	v8 =	vshll.u32 v12, $0x4;
	v6 =	vor.u32 v1, v7  }
0x4e: {  	v8 =	vor.u32 v1, v8;
	[tilespmem:v3+s13+$0x0] =	vst.idx.add.f32.msk $0xffff, v14  }
0x4f: {  	v7 =	vshll.u32 v9, $0x4;
	[tilespmem:v10+s14+$0x0] =	vst.idx.add.f32.msk $0xffff, v11  }
0x50: {  	v9 =	vshll.u32 v13, $0x4;
	v7 =	vor.u32 v1, v7;
	[tilespmem:v4+s11+$0x0] =	vst.idx.add.f32.msk $0xffff, v2  }
0x51: {  	v9 =	vor.u32 v1, v9;
	[tilespmem:v5+s11+$0x0] =	vst.idx.add.f32.msk $0xffff, v2  }
0x52: {  	[tilespmem:v6+s11+$0x0] =	vst.idx.add.f32.msk $0xffff, v2  }
0x53: {  	[tilespmem:v8+s11+$0x0] =	vst.idx.add.f32.msk $0xffff, v2  }
0x54: {  	v11 =	vld [tilespmem:s21+$0x5070]  }
0x55: {  	[tilespmem:v7+s11+$0x0] =	vst.idx.add.f32.msk $0xffff, v2  }
0x56: {  	[tilespmem:v9+s11+$0x0] =	vst.idx.add.f32.msk $0xffff, v2  }
0x57: {  	v57 =	vld [tilespmem:s21+$0x2020]  }
0x58: {  	v15 =	vld [tilespmem:s21+$0x2040]  }
0x59: {  	v58 =	vld [tilespmem:s21+$0x2030]  }
0x5a: {  	v16 =	vld [tilespmem:s21+$0x2050]  }
0x5b: {  	[tilespmem:v10+s15+$0x0] =	vst.idx.add.f32.msk $0xffff, v11  }
0x5c: {  	v10 =	vld [tilespmem:s21+$0x2000]  }
0x5d: {  	v11 =	vld [tilespmem:s21+$0x2010]  }
0x5e: {  	[tilespmem:v6+s12+$0x0] =	vst.idx.add.f32.msk $0xffff, v57  }
0x5f: {  	[tilespmem:v8+s12+$0x0] =	vst.idx.add.f32.msk $0xffff, v15  }
0x60: {  	[tilespmem:v7+s12+$0x0] =	vst.idx.add.f32.msk $0xffff, v58  }
0x61: {  	[tilespmem:v9+s12+$0x0] =	vst.idx.add.f32.msk $0xffff, v16  }
0x62: {  	v12 =	vld [tilespmem:s21+$0x3020]  }
0x63: {  	v15 =	vld [tilespmem:s21+$0x3040]  }
0x64: {  	v13 =	vld [tilespmem:s21+$0x3030]  }
0x65: {  	v16 =	vld [tilespmem:s21+$0x3050]  }
0x66: {  	[tilespmem:v4+s12+$0x0] =	vst.idx.add.f32.msk $0xffff, v10  }
0x67: {  	[tilespmem:v5+s12+$0x0] =	vst.idx.add.f32.msk $0xffff, v11  }
0x68: {  	v10 =	vld [tilespmem:s21+$0x3000]  }
0x69: {  	v11 =	vld [tilespmem:s21+$0x3010]  }
0x6a: {  	[tilespmem:v6+s13+$0x0] =	vst.idx.add.f32.msk $0xffff, v12  }
0x6b: {  	[tilespmem:v8+s13+$0x0] =	vst.idx.add.f32.msk $0xffff, v15  }
0x6c: {  	[tilespmem:v7+s13+$0x0] =	vst.idx.add.f32.msk $0xffff, v13  }
0x6d: {  	[tilespmem:v9+s13+$0x0] =	vst.idx.add.f32.msk $0xffff, v16  }
0x6e: {  	v61 =	vld [tilespmem:s21+$0x4020]  }
0x6f: {  	v63 =	vld [tilespmem:s21+$0x4040]  }
0x70: {  	v62 =	vld [tilespmem:s21+$0x4030]  }
0x71: {  	[tilespmem:v4+s13+$0x0] =	vst.idx.add.f32.msk $0xffff, v10  }
0x72: {  	[tilespmem:v5+s13+$0x0] =	vst.idx.add.f32.msk $0xffff, v11  }
0x73: {  	v11 =	vld [tilespmem:s21+$0x4060]  }
0x74: {  	v10 =	vld [tilespmem:s21+$0x4050]  }
0x75: {  	v59 =	vld [tilespmem:s21+$0x4000]  }
0x76: {  	v60 =	vld [tilespmem:s21+$0x4010]  }
0x77: {  	[tilespmem:v6+s14+$0x0] =	vst.idx.add.f32.msk $0xffff, v61  }
0x78: {  	[tilespmem:v8+s14+$0x0] =	vst.idx.add.f32.msk $0xffff, v63  }
0x79: {  	[tilespmem:v7+s14+$0x0] =	vst.idx.add.f32.msk $0xffff, v62  }
0x7a: {  	[tilespmem:v3+s14+$0x0] =	vst.idx.add.f32.msk $0xffff, v11  }
0x7b: {  	s23 =	simm.s32 $0x1;
	[tilespmem:v4+s14+$0x0] =	vst.idx.add.f32.msk $0xffff, v59  }
0x7c: {  	s24 =	simm.s32 $0x0;
	s25 =	simm.s32 $0x0;
	s22 =	simm.s32 $0x0;
	[tilespmem:v5+s14+$0x0] =	vst.idx.add.f32.msk $0xffff, v60  }
.LBB2_2:
0x7d: {  	s26 =	sand.u32 $0x3, s23;
	s22 =	sadd.s32 $0x8, s22;
	[tilespmem:v9+s14+$0x0] =	vst.idx.add.f32.msk $0xffff, v10  }
0x7e: {  	s24 =	sadd.s32 $0x20, s24;
	s26 =	sshll.u32 s26, $0xA;
	p0 =	slt.u32 s22, $0xF8;
	v10 =	vld [tilespmem:s21+$0x5060]  }
0x7f: {  	s26 =	sadd.s32 s26, s24;
	v11 =	vld [tilespmem:s21+$0x5000]  }
0x80: {  	s28 =	sor.u32 $0x60, s26;
	s26 =	sor.u32 $0x70, s26;
	v12 =	vld [tilespmem:s21+$0x5010]  }
0x81: {  	v13 =	vld [tilespmem:s26+$0x0]  }
0x82: {  	v14 =	vld [tilespmem:s28+$0x0]  }
0x83: {  	v15 =	vld [tilespmem:s21+$0x5020]  }
0x84: {  	v16 =	vld [tilespmem:s21+$0x5030]  }
0x85: {  	v17 =	vld [tilespmem:s21+$0x5040]  }
0x86: {  	v13 =	vshll.u32 v13, $0x4;
	v18 =	vld [tilespmem:s21+$0x5050]  }
0x87: {  	v14 =	vshll.u32 v14, $0x4;
	v13 =	vor.u32 v1, v13;
	[tilespmem:v3+s15+$0x0] =	vst.idx.add.f32.msk $0xffff, v10  }
0x88: {  	v3 =	vor.u32 v1, v14;
	[tilespmem:v4+s15+$0x0] =	vst.idx.add.f32.msk $0xffff, v11  }
0x89: {  	[tilespmem:v5+s15+$0x0] =	vst.idx.add.f32.msk $0xffff, v12  }
0x8a: {  	[tilespmem:v6+s15+$0x0] =	vst.idx.add.f32.msk $0xffff, v15  }
0x8b: {  	[tilespmem:v7+s15+$0x0] =	vst.idx.add.f32.msk $0xffff, v16  }
0x8c: {  	[tilespmem:v13+s11+$0x0] =	vst.idx.add.f32.msk $0xffff, v2  }
0x8d: {  	v4 =	vld [tilespmem:s26+$0x2000]  }
0x8e: {  	[tilespmem:v3+s11+$0x0] =	vst.idx.add.f32.msk $0xffff, v2  }
0x8f: {  	v7 =	vld [tilespmem:s28+$0x2000]  }
0x90: {  	s25 =	sadd.s32 $0x400, s25;
	[tilespmem:v8+s15+$0x0] =	vst.idx.add.f32.msk $0xffff, v17  }
0x91: {  	s21 =	sand.u32 $0xC00, s25;
	s26 =	sand.u32 $0x380, s24;
	[tilespmem:v9+s15+$0x0] =	vst.idx.add.f32.msk $0xffff, v18  }
0x92: {  	s21 =	sor.u32 s26, s21;
	[tilespmem:v13+s12+$0x0] =	vst.idx.add.f32.msk $0xffff, v4  }
0x93: {  	v4 =	vld [tilespmem:s21+$0x3070]  }
0x94: {  	v5 =	vld [tilespmem:s21+$0x0]  }
0x95: {  	v6 =	vld [tilespmem:s21+$0x10]  }
0x96: {  	v8 =	vld [tilespmem:s21+$0x20]  }
0x97: {  	v9 =	vld [tilespmem:s21+$0x30]  }
0x98: {  	[tilespmem:v13+s13+$0x0] =	vst.idx.add.f32.msk $0xffff, v4  }
0x99: {  	v4 =	vshll.u32 v5, $0x4;
	v10 =	vld [tilespmem:s21+$0x4070]  }
0x9a: {  	v4 =	vor.u32 v1, v4;
	v5 =	vshll.u32 v6, $0x4;
	v11 =	vld [tilespmem:s21+$0x40]  }
0x9b: {  	v5 =	vor.u32 v1, v5;
	v6 =	vshll.u32 v8, $0x4;
	v12 =	vld [tilespmem:s21+$0x50]  }
0x9c: {  	v6 =	vor.u32 v1, v6;
	v8 =	vshll.u32 v9, $0x4;
	[tilespmem:v3+s12+$0x0] =	vst.idx.add.f32.msk $0xffff, v7  }
0x9d: {  	v7 =	vor.u32 v1, v8;
	v14 =	vld [tilespmem:s21+$0x3060]  }
0x9e: {  	[tilespmem:v13+s14+$0x0] =	vst.idx.add.f32.msk $0xffff, v10  }
0x9f: {  	v8 =	vshll.u32 v11, $0x4;
	v10 =	vld [tilespmem:s21+$0x5070]  }
0xa0: {  	[tilespmem:v4+s11+$0x0] =	vst.idx.add.f32.msk $0xffff, v2;
	v8 =	vor.u32 v1, v8;
	v9 =	vshll.u32 v12, $0x4  }
0xa1: {  	[tilespmem:v5+s11+$0x0] =	vst.idx.add.f32.msk $0xffff, v2;
	v9 =	vor.u32 v1, v9  }
0xa2: {  	[tilespmem:v6+s11+$0x0] =	vst.idx.add.f32.msk $0xffff, v2  }
0xa3: {  	[tilespmem:v7+s11+$0x0] =	vst.idx.add.f32.msk $0xffff, v2  }
0xa4: {  	[tilespmem:v13+s15+$0x0] =	vst.idx.add.f32.msk $0xffff, v10  }
0xa5: {  	[tilespmem:v8+s11+$0x0] =	vst.idx.add.f32.msk $0xffff, v2  }
0xa6: {  	[tilespmem:v9+s11+$0x0] =	vst.idx.add.f32.msk $0xffff, v2  }
0xa7: {  	v10 =	vld [tilespmem:s21+$0x2000]  }
0xa8: {  	v11 =	vld [tilespmem:s21+$0x2010]  }
0xa9: {  	v12 =	vld [tilespmem:s21+$0x2020]  }
0xaa: {  	v13 =	vld [tilespmem:s21+$0x2030]  }
0xab: {  	v15 =	vld [tilespmem:s21+$0x2040]  }
0xac: {  	v16 =	vld [tilespmem:s21+$0x2050]  }
0xad: {  	[tilespmem:v4+s12+$0x0] =	vst.idx.add.f32.msk $0xffff, v10  }
0xae: {  	[tilespmem:v5+s12+$0x0] =	vst.idx.add.f32.msk $0xffff, v11  }
0xaf: {  	[tilespmem:v6+s12+$0x0] =	vst.idx.add.f32.msk $0xffff, v12  }
0xb0: {  	[tilespmem:v7+s12+$0x0] =	vst.idx.add.f32.msk $0xffff, v13  }
0xb1: {  	[tilespmem:v8+s12+$0x0] =	vst.idx.add.f32.msk $0xffff, v15  }
0xb2: {  	[tilespmem:v9+s12+$0x0] =	vst.idx.add.f32.msk $0xffff, v16  }
0xb3: {  	v10 =	vld [tilespmem:s21+$0x3000]  }
0xb4: {  	v11 =	vld [tilespmem:s21+$0x3010]  }
0xb5: {  	v12 =	vld [tilespmem:s21+$0x3020]  }
0xb6: {  	v13 =	vld [tilespmem:s21+$0x3030]  }
0xb7: {  	v15 =	vld [tilespmem:s21+$0x3040]  }
0xb8: {  	v16 =	vld [tilespmem:s21+$0x3050]  }
0xb9: {  	[tilespmem:v3+s13+$0x0] =	vst.idx.add.f32.msk $0xffff, v14  }
0xba: {  	[tilespmem:v4+s13+$0x0] =	vst.idx.add.f32.msk $0xffff, v10  }
0xbb: {  	[tilespmem:v5+s13+$0x0] =	vst.idx.add.f32.msk $0xffff, v11  }
0xbc: {  	[tilespmem:v6+s13+$0x0] =	vst.idx.add.f32.msk $0xffff, v12  }
0xbd: {  	[tilespmem:v7+s13+$0x0] =	vst.idx.add.f32.msk $0xffff, v13  }
0xbe: {  	[tilespmem:v8+s13+$0x0] =	vst.idx.add.f32.msk $0xffff, v15  }
0xbf: {  	[tilespmem:v9+s13+$0x0] =	vst.idx.add.f32.msk $0xffff, v16  }
0xc0: {  	v11 =	vld [tilespmem:s21+$0x4060]  }
0xc1: {  	v12 =	vld [tilespmem:s21+$0x4000]  }
0xc2: {  	v13 =	vld [tilespmem:s21+$0x4010]  }
0xc3: {  	v14 =	vld [tilespmem:s21+$0x4020]  }
0xc4: {  	v15 =	vld [tilespmem:s21+$0x4030]  }
0xc5: {  	v16 =	vld [tilespmem:s21+$0x4040]  }
0xc6: {  	v10 =	vld [tilespmem:s21+$0x4050]  }
0xc7: {  	[tilespmem:v3+s14+$0x0] =	vst.idx.add.f32.msk $0xffff, v11  }
.Ltmp0:
0xc8: {  	[tilespmem:v4+s14+$0x0] =	vst.idx.add.f32.msk $0xffff, v12;
	(pc) =	sbr.rel @p0 .LBB2_2-.Ltmp0, $4  }
0xc9: {  	[tilespmem:v5+s14+$0x0] =	vst.idx.add.f32.msk $0xffff, v13  }
0xca: {  	[tilespmem:v6+s14+$0x0] =	vst.idx.add.f32.msk $0xffff, v14  }
0xcb: {  	[tilespmem:v7+s14+$0x0] =	vst.idx.add.f32.msk $0xffff, v15  }
0xcc: {  	s23 =	sadd.s32 $0x1, s23;
	[tilespmem:v8+s14+$0x0] =	vst.idx.add.f32.msk $0xffff, v16  }
0xcd: {  	_ =	sdelay $0x3  }
0xce: {  	[tilespmem:v9+s14+$0x0] =	vst.idx.add.f32.msk $0xffff, v10  }
0xcf: {  	v47 =	vld [tilespmem:s21+$0x5060]  }
0xd0: {  	v11 =	vld [tilespmem:s21+$0x5000]  }
0xd1: {  	v12 =	vld [tilespmem:s21+$0x5010]  }
0xd2: {  	v13 =	vld [tilespmem:s21+$0x5020]  }
0xd3: {  	v14 =	vld [tilespmem:s21+$0x5030]  }
0xd4: {  	v15 =	vld [tilespmem:s21+$0x5040]  }
0xd5: {  	v16 =	vld [tilespmem:s21+$0x5050]  }
0xd6: {  	[tilespmem:v3+s15+$0x0] =	vst.idx.add.f32.msk $0xffff, v47  }
0xd7: {  	[tilespmem:v4+s15+$0x0] =	vst.idx.add.f32.msk $0xffff, v11  }
0xd8: {  	[tilespmem:v5+s15+$0x0] =	vst.idx.add.f32.msk $0xffff, v12  }
0xd9: {  	[tilespmem:v6+s15+$0x0] =	vst.idx.add.f32.msk $0xffff, v13  }
0xda: {  	[tilespmem:v7+s15+$0x0] =	vst.idx.add.f32.msk $0xffff, v14  }
0xdb: {  	[tilespmem:v8+s15+$0x0] =	vst.idx.add.f32.msk $0xffff, v15  }
0xdc: {  	[tilespmem:v9+s15+$0x0] =	vst.idx.add.f32.msk $0xffff, v16  }
0xdd: {  	v3 =	vld [tilespmem:$0xA000]  }
0xde: {  	v4 =	vld [tilespmem:$0xA010]  }
0xdf: {  	v5 =	vld [tilespmem:$0xA020]  }
0xe0: {  	v6 =	vld [tilespmem:$0xA030]  }
0xe1: {  	v7 =	vld [tilespmem:$0xA040]  }
0xe2: {  	v48 =	vld [tilespmem:$0xA090];
	[tilespmem:$0xA280] =	vst v3  }
0xe3: {  	v49 =	vld [tilespmem:$0xA0A0];
	[tilespmem:$0xA290] =	vst v4  }
0xe4: {  	v50 =	vld [tilespmem:$0xA0B0];
	[tilespmem:$0xA2A0] =	vst v5  }
0xe5: {  	v51 =	vld [tilespmem:$0xA0C0];
	[tilespmem:$0xA2B0] =	vst v6  }
0xe6: {  	v3 =	vld [tilespmem:$0xA080];
	[tilespmem:$0xA2C0] =	vst v7  }
0xe7: {  	v52 =	vld [tilespmem:$0xA110];
	[tilespmem:$0xA2E0] =	vst v48  }
0xe8: {  	v53 =	vld [tilespmem:$0xA120];
	[tilespmem:$0xA2F0] =	vst v49  }
0xe9: {  	v54 =	vld [tilespmem:$0xA130];
	[tilespmem:$0xA300] =	vst v50  }
0xea: {  	v55 =	vld [tilespmem:$0xA140];
	[tilespmem:$0xA310] =	vst v51  }
0xeb: {  	[tilespmem:$0xA2D0] =	vst v3;
	v3 =	vld [tilespmem:$0xA100]  }
0xec: {  	v56 =	vld [tilespmem:$0xA190];
	[tilespmem:$0xA330] =	vst v52  }
0xed: {  	v57 =	vld [tilespmem:$0xA1A0];
	[tilespmem:$0xA340] =	vst v53  }
0xee: {  	v58 =	vld [tilespmem:$0xA1B0];
	[tilespmem:$0xA350] =	vst v54  }
0xef: {  	v59 =	vld [tilespmem:$0xA1C0];
	[tilespmem:$0xA360] =	vst v55  }
0xf0: {  	[tilespmem:$0xA320] =	vst v3;
	v3 =	vld [tilespmem:$0xA180]  }
0xf1: {  	v60 =	vld [tilespmem:$0xA210];
	[tilespmem:$0xA380] =	vst v56  }
0xf2: {  	v61 =	vld [tilespmem:$0xA220];
	[tilespmem:$0xA390] =	vst v57  }
0xf3: {  	v62 =	vld [tilespmem:$0xA230];
	[tilespmem:$0xA3A0] =	vst v58  }
0xf4: {  	v63 =	vld [tilespmem:$0xA240];
	[tilespmem:$0xA3B0] =	vst v59  }
0xf5: {  	[tilespmem:$0xA370] =	vst v3;
	v3 =	vld [tilespmem:$0xA200]  }
0xf6: {  	[tilespmem:$0xA3D0] =	vst v60  }
0xf7: {  	[tilespmem:$0xA3E0] =	vst v61  }
0xf8: {  	s20 =	sadd.s32 $0x1, s20;
	[tilespmem:$0xA3F0] =	vst v62  }
0xf9: {  	p0 =	sne.s32 s20, s6;
	[tilespmem:$0xA400] =	vst v63  }
.Ltmp1:
0xfa: {  	[tilespmem:$0xA3C0] =	vst v3;
	(pc) =	sbr.rel @p0 .LBB2_1-.Ltmp1, $4  }
0xfb: {  	[hbm4b:s5+s16] =	stream.strided.scatter [tilespmem:s18], [sflag:$0x2], $0x200, s17, s16, $0x38;
	[tilespmem:$0xA480] =	vst v63  }
0xfc: {  	_ =	swait.ge [sflag:s19], $0x200  }
0xfd: {  	[sflag:s19] =	ssyncset.done $0x0  }
0xfe: {  	[sflag:s19] =	ssyncadd.s32 $0xFFFFFE00  }
0xff: {  	_ =	sfence.sel $0x180000  }
0x100: {  	[bflag:$0x0] =	sbarrier.arrive $0xFFFF  }
0x101: {  	p0 =	sne.s32 s2, $0x0;
	_ =	strace $0x90000047  }
0x102: {  	s0 =	sadd.s32 @!p0 $0x100000, s0;
	[bflag:$0x2] =	sbarrier.arrive $0xFFFF  }
0x103: {  	[sflag:s0] =	ssyncadd.tile.s32 @!p0 $0x1;
	_ =	shalt  }
.Lfunc_end2:
_tile_overlayer_lowered:
.L_overlay_start_2:
0x104: {  	(tag) =	ssettag $0x2  }
0x105: {  	s0 =	rddreg [dreg:$0x0];
	s2 =	stileid.u32  }
0x106: {  	s1 =	rddreg [dreg:$0x1];
	p0 =	sne.s32 s2, $0x0  }
0x107: {  	s3 =	rddreg [dreg:$0x2];
	[bflag:$0x3] =	sbarrier.arrive $0xFFFF;
	s2 =	simm.s32 @!p0 $0x1C02  }
0x108: {  	[timem:s3], [sflag:s2] =	dma.local @!p0 [hbm:s0], s1  }
0x109: {  	s0 =	simm.s32 @!p0 $0x2  }
0x10a: {  	_ =	swait.ge @!p0 [sflag:s0], s1  }
0x10b: {  	s1 =	ssub.s32 @!p0 $0x0, s1;
	[sflag:s0] =	ssyncset.done @!p0 $0x0  }
0x10c: {  	[sflag:s0] =	ssyncadd.s32 @!p0 s1  }
0x10d: {  	[bflag:$0x3] =	sbarrier.arrive $0xFFFF  }
0x10e: {  	_ =	shalt  }

</sc_bundles>
